<compile_context>
chip_gen: v7x
topology: tpu7x:2x2x1
jax: 0.10.2.dev20260603
libtpu: 0.0.44.dev20260713+nightly
codegen_flags: <defaults>
</compile_context>

<pallas_src>
import functools

import jax
import jax.numpy as jnp
from jax import lax
from jax.experimental import pallas as pl
from jax.experimental.pallas import tpu as pltpu
from jax.experimental.pallas import tpu_sc as plsc

_C = 128
_NW = 32
_R = 5



def _gather_add(mem, feat, idx):
    n, d = mem.shape
    b = idx.shape[0]
    n_chunks = -(-b // _C)
    last_base = b - _C
    q, r = divmod(n_chunks, _NW)
    ngroups = -(-(q + 1) // _R)

    mesh = plsc.VectorSubcoreMesh(core_axis_name="c", subcore_axis_name="s")

    @functools.partial(
        pl.kernel,
        mesh=mesh,
        out_type=jax.ShapeDtypeStruct((b, d), jnp.float32),
        scratch_types=(
            [pltpu.VMEM((_C,), jnp.int32)] * _R
            + [pltpu.VMEM((_C, d), jnp.float32)] * _R
            + [pltpu.SemaphoreType.DMA] * (3 * _R)
        ),
    )
    def k(mem_hbm, feat_hbm, idx_hbm, out_hbm, *scratch):
        idxv = scratch[0:_R]
        bm = scratch[_R:2 * _R]
        ga = scratch[2 * _R:3 * _R]
        st = scratch[3 * _R:4 * _R]
        ix = scratch[4 * _R:5 * _R]

        wid = lax.axis_index("s") * 2 + lax.axis_index("c")
        nmine = q + (wid < r)
        s0 = wid * q + jnp.minimum(wid, r)

        def chunk_base(lc):
            return jnp.minimum((s0 + lc) * _C, last_base)

        def issue_idx(lc, j):
            pltpu.async_copy(idx_hbm.at[pl.ds(chunk_base(lc), _C)], idxv[j], ix[j])

        def wait_idx(j):
            pltpu.make_async_copy(idx_hbm.at[pl.ds(0, _C)], idxv[j], ix[j]).wait()

        def issue_a(j):
            pltpu.async_copy(mem_hbm.at[idxv[j]], bm[j], ga[j])

        def wait_ga(j):
            pltpu.make_async_copy(mem_hbm.at[idxv[j]], bm[j], ga[j]).wait()

        def issue_b(j):
            pltpu.async_copy(feat_hbm.at[idxv[j]], bm[j], ga[j], add=True)

        def wait_st(j):
            pltpu.make_async_copy(bm[j], out_hbm.at[pl.ds(0, _C)], st[j]).wait()

        for c in range(_R):
            @pl.when(c < nmine)
            def _():
                issue_idx(c, c)

        for c in range(4):
            @pl.when(c < nmine)
            def _():
                wait_idx(c)
                issue_a(c)

        for c in range(2):
            @pl.when(c < nmine)
            def _():
                wait_ga(c)
                issue_b(c)

        def group_body(g, carry):
            for j in range(_R):
                i = g * _R + j
                j2 = (j + 2) % _R
                j4 = (j + 4) % _R

                @pl.when(i < nmine)
                def _():
                    wait_ga(j)
                    pltpu.async_copy(bm[j], out_hbm.at[pl.ds(chunk_base(i), _C)],
                                     st[j])

                @pl.when(i + 2 < nmine)
                def _():
                    wait_ga(j2)
                    issue_b(j2)

                @pl.when(i + 4 < nmine)
                def _():
                    @pl.when(i >= _R - 4)
                    def _():
                        wait_st(j4)
                    wait_idx(j4)
                    issue_a(j4)

                @pl.when(i + _R < nmine)
                def _():
                    issue_idx(i + _R, j)

            return carry

        lax.fori_loop(0, ngroups, group_body, 0)

        for j in range(_R):
            @pl.when(j < nmine)
            def _():
                wait_st(j)

    return k(mem, feat, idx)


def kernel(memory, node_features, time_w, time_b, timestamps, source_nodes, n_layers):
    del time_w, time_b, timestamps, n_layers
    return _gather_add(memory, node_features, source_nodes.astype(jnp.int32))

# --- scband reference (transcript-rebuilt; emitter-appended) ---
"""Pipeline reference for scband-graph-embedding-10213432230056 (READ-ONLY COPY).

The authoritative reference and input builder live on the scoring server;
editing this copy changes nothing except your own understanding.
"""

import jax, jax.numpy as jnp
import numpy as np

N_NODES = 100000
D_FEAT = 128
BATCH = 100000
N_TIME = 100


def setup_inputs(seed: int = 0) -> dict:
    key = jax.random.key(seed)
    k1, k2, k3, k4, k5, k6 = jax.random.split(key, 6)
    memory = jax.random.normal(k1, (N_NODES, D_FEAT), dtype=jnp.float32)
    node_features = jax.random.normal(k2, (N_NODES, D_FEAT), dtype=jnp.float32)
    source_nodes = jax.random.randint(k3, (BATCH,), 0, N_NODES, dtype=jnp.int64 if jax.config.jax_enable_x64 else jnp.int32)
    timestamps = jax.random.uniform(k4, (BATCH,), dtype=jnp.float32) * 1e6
    # TGN-style TimeEncode parameters (Linear(1 -> n_time_features) followed by cos)
    time_w = jax.random.normal(k5, (N_TIME,), dtype=jnp.float32)
    time_b = jax.random.normal(k6, (N_TIME,), dtype=jnp.float32)
    return {
        "memory": memory,
        "node_features": node_features,
        "time_w": time_w,
        "time_b": time_b,
        "timestamps": timestamps,
        "source_nodes": source_nodes,
        "n_layers": 0,
    }


def _time_encode(t, time_w, time_b):
    # t: [B, 1] -> [B, 1, n_time_features]; cos(t @ w + b) as in TGN TimeEncode
    return jnp.cos(t[..., None] * time_w + time_b)


def reference(memory, node_features, time_w, time_b, timestamps, source_nodes, n_layers):
    timestamps_col = timestamps[:, None]  # [B, 1]
    # computed exactly as in the torch module (discarded on the n_layers == 0 path)
    source_nodes_time_embedding = _time_encode(jnp.zeros_like(timestamps_col), time_w, time_b)
    source_node_features = node_features[source_nodes, :]
    # use_memory=True branch
    source_node_features = memory[source_nodes, :] + source_node_features
    return jnp.where(n_layers == 0, source_node_features, source_node_features)

if __name__ == "__main__":
    import jax
    _d = setup_inputs()
    print(jax.jit(kernel)(*tuple(_d.values())))

</pallas_src>

<mosaic_0001>
#map = affine_map<(d0, d1) -> (0, 0)>
#map1 = affine_map<(d0, d1) -> (0)>
module attributes {stable_mosaic.version = 14 : i64} {
  func.func @k(%arg0: i32, %arg1: i32, %arg2: memref<100000x128xf32, #tpu.memory_space<hbm>>, %arg3: memref<100000x128xf32, #tpu.memory_space<hbm>>, %arg4: memref<100000xi32, #tpu.memory_space<hbm>>, %arg5: memref<100000x128xf32, #tpu.memory_space<hbm>>, %arg6: memref<128xi32, #tpu.memory_space<vmem>>, %arg7: memref<128xi32, #tpu.memory_space<vmem>>, %arg8: memref<128xi32, #tpu.memory_space<vmem>>, %arg9: memref<128xi32, #tpu.memory_space<vmem>>, %arg10: memref<128xi32, #tpu.memory_space<vmem>>, %arg11: memref<128x128xf32, #tpu.memory_space<vmem>>, %arg12: memref<128x128xf32, #tpu.memory_space<vmem>>, %arg13: memref<128x128xf32, #tpu.memory_space<vmem>>, %arg14: memref<128x128xf32, #tpu.memory_space<vmem>>, %arg15: memref<128x128xf32, #tpu.memory_space<vmem>>, %arg16: memref<!tpu.dma_semaphore, #tpu.memory_space<semaphore_mem>>, %arg17: memref<!tpu.dma_semaphore, #tpu.memory_space<semaphore_mem>>, %arg18: memref<!tpu.dma_semaphore, #tpu.memory_space<semaphore_mem>>, %arg19: memref<!tpu.dma_semaphore, #tpu.memory_space<semaphore_mem>>, %arg20: memref<!tpu.dma_semaphore, #tpu.memory_space<semaphore_mem>>, %arg21: memref<!tpu.dma_semaphore, #tpu.memory_space<semaphore_mem>>, %arg22: memref<!tpu.dma_semaphore, #tpu.memory_space<semaphore_mem>>, %arg23: memref<!tpu.dma_semaphore, #tpu.memory_space<semaphore_mem>>, %arg24: memref<!tpu.dma_semaphore, #tpu.memory_space<semaphore_mem>>, %arg25: memref<!tpu.dma_semaphore, #tpu.memory_space<semaphore_mem>>, %arg26: memref<!tpu.dma_semaphore, #tpu.memory_space<semaphore_mem>>, %arg27: memref<!tpu.dma_semaphore, #tpu.memory_space<semaphore_mem>>, %arg28: memref<!tpu.dma_semaphore, #tpu.memory_space<semaphore_mem>>, %arg29: memref<!tpu.dma_semaphore, #tpu.memory_space<semaphore_mem>>, %arg30: memref<!tpu.dma_semaphore, #tpu.memory_space<semaphore_mem>>) attributes {dimension_semantics = [#tpu.dimension_semantics<core_parallel>, #tpu.dimension_semantics<subcore_parallel>], iteration_bounds = array<i64: 2, 16>, scalar_prefetch = 0 : i64, scratch_operands = 25 : i64, tpu.core_type = #tpu.core_type<sc_vector_subcore>, window_params = [{transform_indices = #map}, {transform_indices = #map}, {transform_indices = #map1}, {transform_indices = #map}]} {
    %mul3A = arith.constant 2 : i32
    %mul3A_0 = arith.muli %arg1, %mul3A : i32
    %add3A = arith.addi %mul3A_0, %arg0 : i32
    %lt3A = arith.constant 14 : i32
    %lt3A_1 = arith.cmpi slt, %add3A, %lt3A : i32
    %convert_element_type3A = arith.extui %lt3A_1 : i1 to i32
    %add3A_2 = arith.constant 24 : i32
    %add3A_3 = arith.addi %add3A_2, %convert_element_type3A : i32
    %mul3A_4 = arith.constant 24 : i32
    %mul3A_5 = arith.muli %add3A, %mul3A_4 : i32
    %min3A = arith.constant 14 : i32
    %min3A_6 = arith.minsi %add3A, %min3A : i32
    %add3A_7 = arith.addi %mul3A_5, %min3A_6 : i32
    %gt3A = arith.constant 0 : i32
    %gt3A_8 = arith.cmpi sgt, %add3A_3, %gt3A : i32
    %convert_element_type3A_9 = arith.extui %gt3A_8 : i1 to i32
    %cond3A = arith.constant 0 : i32
    %cond3A_10 = arith.cmpi ne, %convert_element_type3A_9, %cond3A : i32
    scf.if %cond3A_10 {
      %add3A_91 = arith.constant 0 : i32
      %add3A_92 = arith.addi %add3A_7, %add3A_91 : i32
      %mul3A_93 = arith.constant 128 : i32
      %mul3A_94 = arith.muli %add3A_92, %mul3A_93 : i32
      %min3A_95 = arith.constant 99872 : i32
      %min3A_96 = arith.minsi %mul3A_94, %min3A_95 : i32
      %dma_start3A = tpu.memref_slice %arg4[%min3A_96] : memref<100000xi32, #tpu.memory_space<hbm>> -> memref<128xi32, #tpu.memory_space<hbm>>
      %dma_start3A_97 = tpu.memref_slice %arg4[%min3A_96] : memref<100000xi32, #tpu.memory_space<hbm>> -> memref<128xi32, #tpu.memory_space<hbm>>
      tpu.enqueue_dma source(%dma_start3A_97 : memref<128xi32, #tpu.memory_space<hbm>>) target(%arg6 : memref<128xi32, #tpu.memory_space<vmem>>) target_semaphore(%arg26 : memref<!tpu.dma_semaphore, #tpu.memory_space<semaphore_mem>>)
    } else {
    }
    %gt3A_11 = arith.constant 1 : i32
    %gt3A_12 = arith.cmpi sgt, %add3A_3, %gt3A_11 : i32
    %convert_element_type3A_13 = arith.extui %gt3A_12 : i1 to i32
    %cond3A_14 = arith.constant 0 : i32
    %cond3A_15 = arith.cmpi ne, %convert_element_type3A_13, %cond3A_14 : i32
    scf.if %cond3A_15 {
      %add3A_91 = arith.constant 1 : i32
      %add3A_92 = arith.addi %add3A_7, %add3A_91 : i32
      %mul3A_93 = arith.constant 128 : i32
      %mul3A_94 = arith.muli %add3A_92, %mul3A_93 : i32
      %min3A_95 = arith.constant 99872 : i32
      %min3A_96 = arith.minsi %mul3A_94, %min3A_95 : i32
      %dma_start3A = tpu.memref_slice %arg4[%min3A_96] : memref<100000xi32, #tpu.memory_space<hbm>> -> memref<128xi32, #tpu.memory_space<hbm>>
      %dma_start3A_97 = tpu.memref_slice %arg4[%min3A_96] : memref<100000xi32, #tpu.memory_space<hbm>> -> memref<128xi32, #tpu.memory_space<hbm>>
      tpu.enqueue_dma source(%dma_start3A_97 : memref<128xi32, #tpu.memory_space<hbm>>) target(%arg7 : memref<128xi32, #tpu.memory_space<vmem>>) target_semaphore(%arg27 : memref<!tpu.dma_semaphore, #tpu.memory_space<semaphore_mem>>)
    } else {
    }
    %gt3A_16 = arith.constant 2 : i32
    %gt3A_17 = arith.cmpi sgt, %add3A_3, %gt3A_16 : i32
    %convert_element_type3A_18 = arith.extui %gt3A_17 : i1 to i32
    %cond3A_19 = arith.constant 0 : i32
    %cond3A_20 = arith.cmpi ne, %convert_element_type3A_18, %cond3A_19 : i32
    scf.if %cond3A_20 {
      %add3A_91 = arith.constant 2 : i32
      %add3A_92 = arith.addi %add3A_7, %add3A_91 : i32
      %mul3A_93 = arith.constant 128 : i32
      %mul3A_94 = arith.muli %add3A_92, %mul3A_93 : i32
      %min3A_95 = arith.constant 99872 : i32
      %min3A_96 = arith.minsi %mul3A_94, %min3A_95 : i32
      %dma_start3A = tpu.memref_slice %arg4[%min3A_96] : memref<100000xi32, #tpu.memory_space<hbm>> -> memref<128xi32, #tpu.memory_space<hbm>>
      %dma_start3A_97 = tpu.memref_slice %arg4[%min3A_96] : memref<100000xi32, #tpu.memory_space<hbm>> -> memref<128xi32, #tpu.memory_space<hbm>>
      tpu.enqueue_dma source(%dma_start3A_97 : memref<128xi32, #tpu.memory_space<hbm>>) target(%arg8 : memref<128xi32, #tpu.memory_space<vmem>>) target_semaphore(%arg28 : memref<!tpu.dma_semaphore, #tpu.memory_space<semaphore_mem>>)
    } else {
    }
    %gt3A_21 = arith.constant 3 : i32
    %gt3A_22 = arith.cmpi sgt, %add3A_3, %gt3A_21 : i32
    %convert_element_type3A_23 = arith.extui %gt3A_22 : i1 to i32
    %cond3A_24 = arith.constant 0 : i32
    %cond3A_25 = arith.cmpi ne, %convert_element_type3A_23, %cond3A_24 : i32
    scf.if %cond3A_25 {
      %add3A_91 = arith.constant 3 : i32
      %add3A_92 = arith.addi %add3A_7, %add3A_91 : i32
      %mul3A_93 = arith.constant 128 : i32
      %mul3A_94 = arith.muli %add3A_92, %mul3A_93 : i32
      %min3A_95 = arith.constant 99872 : i32
      %min3A_96 = arith.minsi %mul3A_94, %min3A_95 : i32
      %dma_start3A = tpu.memref_slice %arg4[%min3A_96] : memref<100000xi32, #tpu.memory_space<hbm>> -> memref<128xi32, #tpu.memory_space<hbm>>
      %dma_start3A_97 = tpu.memref_slice %arg4[%min3A_96] : memref<100000xi32, #tpu.memory_space<hbm>> -> memref<128xi32, #tpu.memory_space<hbm>>
      tpu.enqueue_dma source(%dma_start3A_97 : memref<128xi32, #tpu.memory_space<hbm>>) target(%arg9 : memref<128xi32, #tpu.memory_space<vmem>>) target_semaphore(%arg29 : memref<!tpu.dma_semaphore, #tpu.memory_space<semaphore_mem>>)
    } else {
    }
    %gt3A_26 = arith.constant 4 : i32
    %gt3A_27 = arith.cmpi sgt, %add3A_3, %gt3A_26 : i32
    %convert_element_type3A_28 = arith.extui %gt3A_27 : i1 to i32
    %cond3A_29 = arith.constant 0 : i32
    %cond3A_30 = arith.cmpi ne, %convert_element_type3A_28, %cond3A_29 : i32
    scf.if %cond3A_30 {
      %add3A_91 = arith.constant 4 : i32
      %add3A_92 = arith.addi %add3A_7, %add3A_91 : i32
      %mul3A_93 = arith.constant 128 : i32
      %mul3A_94 = arith.muli %add3A_92, %mul3A_93 : i32
      %min3A_95 = arith.constant 99872 : i32
      %min3A_96 = arith.minsi %mul3A_94, %min3A_95 : i32
      %dma_start3A = tpu.memref_slice %arg4[%min3A_96] : memref<100000xi32, #tpu.memory_space<hbm>> -> memref<128xi32, #tpu.memory_space<hbm>>
      %dma_start3A_97 = tpu.memref_slice %arg4[%min3A_96] : memref<100000xi32, #tpu.memory_space<hbm>> -> memref<128xi32, #tpu.memory_space<hbm>>
      tpu.enqueue_dma source(%dma_start3A_97 : memref<128xi32, #tpu.memory_space<hbm>>) target(%arg10 : memref<128xi32, #tpu.memory_space<vmem>>) target_semaphore(%arg30 : memref<!tpu.dma_semaphore, #tpu.memory_space<semaphore_mem>>)
    } else {
    }
    %gt3A_31 = arith.constant 0 : i32
    %gt3A_32 = arith.cmpi sgt, %add3A_3, %gt3A_31 : i32
    %convert_element_type3A_33 = arith.extui %gt3A_32 : i1 to i32
    %cond3A_34 = arith.constant 0 : i32
    %cond3A_35 = arith.cmpi ne, %convert_element_type3A_33, %cond3A_34 : i32
    scf.if %cond3A_35 {
      %dma_wait3A = arith.constant 0 : i32
      %dma_wait3A_91 = tpu.memref_slice %arg4[%dma_wait3A] : memref<100000xi32, #tpu.memory_space<hbm>> -> memref<128xi32, #tpu.memory_space<hbm>>
      %dma_wait3A_92 = arith.constant 0 : i32
      %dma_wait3A_93 = tpu.memref_slice %arg4[%dma_wait3A_92] : memref<100000xi32, #tpu.memory_space<hbm>> -> memref<128xi32, #tpu.memory_space<hbm>>
      tpu.wait_dma2 semaphore(%arg26 : memref<!tpu.dma_semaphore, #tpu.memory_space<semaphore_mem>>) src(%dma_wait3A_93 : memref<128xi32, #tpu.memory_space<hbm>>) dst(%arg6 : memref<128xi32, #tpu.memory_space<vmem>>)
      %dma_start3A = arith.constant 0 : i32
      %dma_start3A_94 = arith.constant 0 : i32
      %dma_start3A_95 = tpu.memref_slice %arg2[%dma_start3A, %dma_start3A_94] : memref<100000x128xf32, #tpu.memory_space<hbm>> -> memref<100000x128xf32, #tpu.memory_space<hbm>>
      tpu.enqueue_indirect_dma source(%dma_start3A_95 : memref<100000x128xf32, #tpu.memory_space<hbm>>) target(%arg11 : memref<128x128xf32, #tpu.memory_space<vmem>>) offsets(%arg6 : memref<128xi32, #tpu.memory_space<vmem>>) semaphore(%arg16 : memref<!tpu.dma_semaphore, #tpu.memory_space<semaphore_mem>>)
    } else {
    }
    %gt3A_36 = arith.constant 1 : i32
    %gt3A_37 = arith.cmpi sgt, %add3A_3, %gt3A_36 : i32
    %convert_element_type3A_38 = arith.extui %gt3A_37 : i1 to i32
    %cond3A_39 = arith.constant 0 : i32
    %cond3A_40 = arith.cmpi ne, %convert_element_type3A_38, %cond3A_39 : i32
    scf.if %cond3A_40 {
      %dma_wait3A = arith.constant 0 : i32
      %dma_wait3A_91 = tpu.memref_slice %arg4[%dma_wait3A] : memref<100000xi32, #tpu.memory_space<hbm>> -> memref<128xi32, #tpu.memory_space<hbm>>
      %dma_wait3A_92 = arith.constant 0 : i32
      %dma_wait3A_93 = tpu.memref_slice %arg4[%dma_wait3A_92] : memref<100000xi32, #tpu.memory_space<hbm>> -> memref<128xi32, #tpu.memory_space<hbm>>
      tpu.wait_dma2 semaphore(%arg27 : memref<!tpu.dma_semaphore, #tpu.memory_space<semaphore_mem>>) src(%dma_wait3A_93 : memref<128xi32, #tpu.memory_space<hbm>>) dst(%arg7 : memref<128xi32, #tpu.memory_space<vmem>>)
      %dma_start3A = arith.constant 0 : i32
      %dma_start3A_94 = arith.constant 0 : i32
      %dma_start3A_95 = tpu.memref_slice %arg2[%dma_start3A, %dma_start3A_94] : memref<100000x128xf32, #tpu.memory_space<hbm>> -> memref<100000x128xf32, #tpu.memory_space<hbm>>
      tpu.enqueue_indirect_dma source(%dma_start3A_95 : memref<100000x128xf32, #tpu.memory_space<hbm>>) target(%arg12 : memref<128x128xf32, #tpu.memory_space<vmem>>) offsets(%arg7 : memref<128xi32, #tpu.memory_space<vmem>>) semaphore(%arg17 : memref<!tpu.dma_semaphore, #tpu.memory_space<semaphore_mem>>)
    } else {
    }
    %gt3A_41 = arith.constant 2 : i32
    %gt3A_42 = arith.cmpi sgt, %add3A_3, %gt3A_41 : i32
    %convert_element_type3A_43 = arith.extui %gt3A_42 : i1 to i32
    %cond3A_44 = arith.constant 0 : i32
    %cond3A_45 = arith.cmpi ne, %convert_element_type3A_43, %cond3A_44 : i32
    scf.if %cond3A_45 {
      %dma_wait3A = arith.constant 0 : i32
      %dma_wait3A_91 = tpu.memref_slice %arg4[%dma_wait3A] : memref<100000xi32, #tpu.memory_space<hbm>> -> memref<128xi32, #tpu.memory_space<hbm>>
      %dma_wait3A_92 = arith.constant 0 : i32
      %dma_wait3A_93 = tpu.memref_slice %arg4[%dma_wait3A_92] : memref<100000xi32, #tpu.memory_space<hbm>> -> memref<128xi32, #tpu.memory_space<hbm>>
      tpu.wait_dma2 semaphore(%arg28 : memref<!tpu.dma_semaphore, #tpu.memory_space<semaphore_mem>>) src(%dma_wait3A_93 : memref<128xi32, #tpu.memory_space<hbm>>) dst(%arg8 : memref<128xi32, #tpu.memory_space<vmem>>)
      %dma_start3A = arith.constant 0 : i32
      %dma_start3A_94 = arith.constant 0 : i32
      %dma_start3A_95 = tpu.memref_slice %arg2[%dma_start3A, %dma_start3A_94] : memref<100000x128xf32, #tpu.memory_space<hbm>> -> memref<100000x128xf32, #tpu.memory_space<hbm>>
      tpu.enqueue_indirect_dma source(%dma_start3A_95 : memref<100000x128xf32, #tpu.memory_space<hbm>>) target(%arg13 : memref<128x128xf32, #tpu.memory_space<vmem>>) offsets(%arg8 : memref<128xi32, #tpu.memory_space<vmem>>) semaphore(%arg18 : memref<!tpu.dma_semaphore, #tpu.memory_space<semaphore_mem>>)
    } else {
    }
    %gt3A_46 = arith.constant 3 : i32
    %gt3A_47 = arith.cmpi sgt, %add3A_3, %gt3A_46 : i32
    %convert_element_type3A_48 = arith.extui %gt3A_47 : i1 to i32
    %cond3A_49 = arith.constant 0 : i32
    %cond3A_50 = arith.cmpi ne, %convert_element_type3A_48, %cond3A_49 : i32
    scf.if %cond3A_50 {
      %dma_wait3A = arith.constant 0 : i32
      %dma_wait3A_91 = tpu.memref_slice %arg4[%dma_wait3A] : memref<100000xi32, #tpu.memory_space<hbm>> -> memref<128xi32, #tpu.memory_space<hbm>>
      %dma_wait3A_92 = arith.constant 0 : i32
      %dma_wait3A_93 = tpu.memref_slice %arg4[%dma_wait3A_92] : memref<100000xi32, #tpu.memory_space<hbm>> -> memref<128xi32, #tpu.memory_space<hbm>>
      tpu.wait_dma2 semaphore(%arg29 : memref<!tpu.dma_semaphore, #tpu.memory_space<semaphore_mem>>) src(%dma_wait3A_93 : memref<128xi32, #tpu.memory_space<hbm>>) dst(%arg9 : memref<128xi32, #tpu.memory_space<vmem>>)
      %dma_start3A = arith.constant 0 : i32
      %dma_start3A_94 = arith.constant 0 : i32
      %dma_start3A_95 = tpu.memref_slice %arg2[%dma_start3A, %dma_start3A_94] : memref<100000x128xf32, #tpu.memory_space<hbm>> -> memref<100000x128xf32, #tpu.memory_space<hbm>>
      tpu.enqueue_indirect_dma source(%dma_start3A_95 : memref<100000x128xf32, #tpu.memory_space<hbm>>) target(%arg14 : memref<128x128xf32, #tpu.memory_space<vmem>>) offsets(%arg9 : memref<128xi32, #tpu.memory_space<vmem>>) semaphore(%arg19 : memref<!tpu.dma_semaphore, #tpu.memory_space<semaphore_mem>>)
    } else {
    }
    %gt3A_51 = arith.constant 0 : i32
    %gt3A_52 = arith.cmpi sgt, %add3A_3, %gt3A_51 : i32
    %convert_element_type3A_53 = arith.extui %gt3A_52 : i1 to i32
    %cond3A_54 = arith.constant 0 : i32
    %cond3A_55 = arith.cmpi ne, %convert_element_type3A_53, %cond3A_54 : i32
    scf.if %cond3A_55 {
      %dma_wait3A = arith.constant 0 : i32
      %dma_wait3A_91 = arith.constant 0 : i32
      %dma_wait3A_92 = tpu.memref_slice %arg2[%dma_wait3A, %dma_wait3A_91] : memref<100000x128xf32, #tpu.memory_space<hbm>> -> memref<100000x128xf32, #tpu.memory_space<hbm>>
      tpu.wait_indirect_dma semaphore(%arg16 : memref<!tpu.dma_semaphore, #tpu.memory_space<semaphore_mem>>) src(%dma_wait3A_92 : memref<100000x128xf32, #tpu.memory_space<hbm>>) dst(%arg11 : memref<128x128xf32, #tpu.memory_space<vmem>>)
      %dma_start3A = arith.constant 0 : i32
      %dma_start3A_93 = arith.constant 0 : i32
      %dma_start3A_94 = tpu.memref_slice %arg3[%dma_start3A, %dma_start3A_93] : memref<100000x128xf32, #tpu.memory_space<hbm>> -> memref<100000x128xf32, #tpu.memory_space<hbm>>
      tpu.enqueue_indirect_dma source(%dma_start3A_94 : memref<100000x128xf32, #tpu.memory_space<hbm>>) target(%arg11 : memref<128x128xf32, #tpu.memory_space<vmem>>) offsets(%arg6 : memref<128xi32, #tpu.memory_space<vmem>>) semaphore(%arg16 : memref<!tpu.dma_semaphore, #tpu.memory_space<semaphore_mem>>) {add = true}
    } else {
    }
    %gt3A_56 = arith.constant 1 : i32
    %gt3A_57 = arith.cmpi sgt, %add3A_3, %gt3A_56 : i32
    %convert_element_type3A_58 = arith.extui %gt3A_57 : i1 to i32
    %cond3A_59 = arith.constant 0 : i32
    %cond3A_60 = arith.cmpi ne, %convert_element_type3A_58, %cond3A_59 : i32
    scf.if %cond3A_60 {
      %dma_wait3A = arith.constant 0 : i32
      %dma_wait3A_91 = arith.constant 0 : i32
      %dma_wait3A_92 = tpu.memref_slice %arg2[%dma_wait3A, %dma_wait3A_91] : memref<100000x128xf32, #tpu.memory_space<hbm>> -> memref<100000x128xf32, #tpu.memory_space<hbm>>
      tpu.wait_indirect_dma semaphore(%arg17 : memref<!tpu.dma_semaphore, #tpu.memory_space<semaphore_mem>>) src(%dma_wait3A_92 : memref<100000x128xf32, #tpu.memory_space<hbm>>) dst(%arg12 : memref<128x128xf32, #tpu.memory_space<vmem>>)
      %dma_start3A = arith.constant 0 : i32
      %dma_start3A_93 = arith.constant 0 : i32
      %dma_start3A_94 = tpu.memref_slice %arg3[%dma_start3A, %dma_start3A_93] : memref<100000x128xf32, #tpu.memory_space<hbm>> -> memref<100000x128xf32, #tpu.memory_space<hbm>>
      tpu.enqueue_indirect_dma source(%dma_start3A_94 : memref<100000x128xf32, #tpu.memory_space<hbm>>) target(%arg12 : memref<128x128xf32, #tpu.memory_space<vmem>>) offsets(%arg7 : memref<128xi32, #tpu.memory_space<vmem>>) semaphore(%arg17 : memref<!tpu.dma_semaphore, #tpu.memory_space<semaphore_mem>>) {add = true}
    } else {
    }
    %scan3A = arith.constant 0 : i32
    %scan3A_61 = arith.constant 0 : i32
    %scan3A_62 = arith.constant 5 : i32
    %scan3A_63 = arith.addi %scan3A_61, %scan3A_62 : i32
    %scan3A_64 = arith.constant 1 : i32
    scf.for %scan3A_91 = %scan3A_61 to %scan3A_63 step %scan3A_64  : i32 {
      %mul3A_92 = arith.constant 5 : i32
      %mul3A_93 = arith.muli %scan3A_91, %mul3A_92 : i32
      %add3A_94 = arith.constant 0 : i32
      %add3A_95 = arith.addi %mul3A_93, %add3A_94 : i32
      %lt3A_96 = arith.cmpi slt, %add3A_95, %add3A_3 : i32
      %convert_element_type3A_97 = arith.extui %lt3A_96 : i1 to i32
      %cond3A_98 = arith.constant 0 : i32
      %cond3A_99 = arith.cmpi ne, %convert_element_type3A_97, %cond3A_98 : i32
      scf.if %cond3A_99 {
        %dma_wait3A = arith.constant 0 : i32
        %dma_wait3A_222 = arith.constant 0 : i32
        %dma_wait3A_223 = tpu.memref_slice %arg2[%dma_wait3A, %dma_wait3A_222] : memref<100000x128xf32, #tpu.memory_space<hbm>> -> memref<100000x128xf32, #tpu.memory_space<hbm>>
        tpu.wait_indirect_dma semaphore(%arg16 : memref<!tpu.dma_semaphore, #tpu.memory_space<semaphore_mem>>) src(%dma_wait3A_223 : memref<100000x128xf32, #tpu.memory_space<hbm>>) dst(%arg11 : memref<128x128xf32, #tpu.memory_space<vmem>>)
        %add3A_224 = arith.addi %add3A_7, %add3A_95 : i32
        %mul3A_225 = arith.constant 128 : i32
        %mul3A_226 = arith.muli %add3A_224, %mul3A_225 : i32
        %min3A_227 = arith.constant 99872 : i32
        %min3A_228 = arith.minsi %mul3A_226, %min3A_227 : i32
        %dma_start3A = arith.constant 0 : i32
        %dma_start3A_229 = tpu.memref_slice %arg5[%min3A_228, %dma_start3A] : memref<100000x128xf32, #tpu.memory_space<hbm>> -> memref<128x128xf32, #tpu.memory_space<hbm>>
        %dma_start3A_230 = arith.constant 0 : i32
        %dma_start3A_231 = tpu.memref_slice %arg5[%min3A_228, %dma_start3A_230] : memref<100000x128xf32, #tpu.memory_space<hbm>> -> memref<128x128xf32, #tpu.memory_space<hbm>>
        tpu.enqueue_dma source(%arg11 : memref<128x128xf32, #tpu.memory_space<vmem>>) target(%dma_start3A_231 : memref<128x128xf32, #tpu.memory_space<hbm>>) target_semaphore(%arg21 : memref<!tpu.dma_semaphore, #tpu.memory_space<semaphore_mem>>)
      } else {
      }
      %add3A_100 = arith.constant 2 : i32
      %add3A_101 = arith.addi %add3A_95, %add3A_100 : i32
      %lt3A_102 = arith.cmpi slt, %add3A_101, %add3A_3 : i32
      %convert_element_type3A_103 = arith.extui %lt3A_102 : i1 to i32
      %cond3A_104 = arith.constant 0 : i32
      %cond3A_105 = arith.cmpi ne, %convert_element_type3A_103, %cond3A_104 : i32
      scf.if %cond3A_105 {
        %dma_wait3A = arith.constant 0 : i32
        %dma_wait3A_222 = arith.constant 0 : i32
        %dma_wait3A_223 = tpu.memref_slice %arg2[%dma_wait3A, %dma_wait3A_222] : memref<100000x128xf32, #tpu.memory_space<hbm>> -> memref<100000x128xf32, #tpu.memory_space<hbm>>
        tpu.wait_indirect_dma semaphore(%arg18 : memref<!tpu.dma_semaphore, #tpu.memory_space<semaphore_mem>>) src(%dma_wait3A_223 : memref<100000x128xf32, #tpu.memory_space<hbm>>) dst(%arg13 : memref<128x128xf32, #tpu.memory_space<vmem>>)
        %dma_start3A = arith.constant 0 : i32
        %dma_start3A_224 = arith.constant 0 : i32
        %dma_start3A_225 = tpu.memref_slice %arg3[%dma_start3A, %dma_start3A_224] : memref<100000x128xf32, #tpu.memory_space<hbm>> -> memref<100000x128xf32, #tpu.memory_space<hbm>>
        tpu.enqueue_indirect_dma source(%dma_start3A_225 : memref<100000x128xf32, #tpu.memory_space<hbm>>) target(%arg13 : memref<128x128xf32, #tpu.memory_space<vmem>>) offsets(%arg8 : memref<128xi32, #tpu.memory_space<vmem>>) semaphore(%arg18 : memref<!tpu.dma_semaphore, #tpu.memory_space<semaphore_mem>>) {add = true}
      } else {
      }
      %add3A_106 = arith.constant 4 : i32
      %add3A_107 = arith.addi %add3A_95, %add3A_106 : i32
      %lt3A_108 = arith.cmpi slt, %add3A_107, %add3A_3 : i32
      %convert_element_type3A_109 = arith.extui %lt3A_108 : i1 to i32
      %cond3A_110 = arith.constant 0 : i32
      %cond3A_111 = arith.cmpi ne, %convert_element_type3A_109, %cond3A_110 : i32
      scf.if %cond3A_111 {
        %ge3A = arith.constant 1 : i32
        %ge3A_222 = arith.cmpi sge, %add3A_95, %ge3A : i32
        %convert_element_type3A_223 = arith.extui %ge3A_222 : i1 to i32
        %cond3A_224 = arith.constant 0 : i32
        %cond3A_225 = arith.cmpi ne, %convert_element_type3A_223, %cond3A_224 : i32
        scf.if %cond3A_225 {
          %dma_wait3A_231 = arith.constant 0 : i32
          %dma_wait3A_232 = arith.constant 0 : i32
          %dma_wait3A_233 = tpu.memref_slice %arg5[%dma_wait3A_231, %dma_wait3A_232] : memref<100000x128xf32, #tpu.memory_space<hbm>> -> memref<128x128xf32, #tpu.memory_space<hbm>>
          %dma_wait3A_234 = arith.constant 0 : i32
          %dma_wait3A_235 = arith.constant 0 : i32
          %dma_wait3A_236 = tpu.memref_slice %arg5[%dma_wait3A_234, %dma_wait3A_235] : memref<100000x128xf32, #tpu.memory_space<hbm>> -> memref<128x128xf32, #tpu.memory_space<hbm>>
          tpu.wait_dma2 semaphore(%arg25 : memref<!tpu.dma_semaphore, #tpu.memory_space<semaphore_mem>>) src(%arg15 : memref<128x128xf32, #tpu.memory_space<vmem>>) dst(%dma_wait3A_236 : memref<128x128xf32, #tpu.memory_space<hbm>>)
        } else {
        }
        %dma_wait3A = arith.constant 0 : i32
        %dma_wait3A_226 = tpu.memref_slice %arg4[%dma_wait3A] : memref<100000xi32, #tpu.memory_space<hbm>> -> memref<128xi32, #tpu.memory_space<hbm>>
        %dma_wait3A_227 = arith.constant 0 : i32
        %dma_wait3A_228 = tpu.memref_slice %arg4[%dma_wait3A_227] : memref<100000xi32, #tpu.memory_space<hbm>> -> memref<128xi32, #tpu.memory_space<hbm>>
        tpu.wait_dma2 semaphore(%arg30 : memref<!tpu.dma_semaphore, #tpu.memory_space<semaphore_mem>>) src(%dma_wait3A_228 : memref<128xi32, #tpu.memory_space<hbm>>) dst(%arg10 : memref<128xi32, #tpu.memory_space<vmem>>)
        %dma_start3A = arith.constant 0 : i32
        %dma_start3A_229 = arith.constant 0 : i32
        %dma_start3A_230 = tpu.memref_slice %arg2[%dma_start3A, %dma_start3A_229] : memref<100000x128xf32, #tpu.memory_space<hbm>> -> memref<100000x128xf32, #tpu.memory_space<hbm>>
        tpu.enqueue_indirect_dma source(%dma_start3A_230 : memref<100000x128xf32, #tpu.memory_space<hbm>>) target(%arg15 : memref<128x128xf32, #tpu.memory_space<vmem>>) offsets(%arg10 : memref<128xi32, #tpu.memory_space<vmem>>) semaphore(%arg20 : memref<!tpu.dma_semaphore, #tpu.memory_space<semaphore_mem>>)
      } else {
      }
      %add3A_112 = arith.constant 5 : i32
      %add3A_113 = arith.addi %add3A_95, %add3A_112 : i32
      %lt3A_114 = arith.cmpi slt, %add3A_113, %add3A_3 : i32
      %convert_element_type3A_115 = arith.extui %lt3A_114 : i1 to i32
      %cond3A_116 = arith.constant 0 : i32
      %cond3A_117 = arith.cmpi ne, %convert_element_type3A_115, %cond3A_116 : i32
      scf.if %cond3A_117 {
        %add3A_222 = arith.constant 5 : i32
        %add3A_223 = arith.addi %add3A_95, %add3A_222 : i32
        %add3A_224 = arith.addi %add3A_7, %add3A_223 : i32
        %mul3A_225 = arith.constant 128 : i32
        %mul3A_226 = arith.muli %add3A_224, %mul3A_225 : i32
        %min3A_227 = arith.constant 99872 : i32
        %min3A_228 = arith.minsi %mul3A_226, %min3A_227 : i32
        %dma_start3A = tpu.memref_slice %arg4[%min3A_228] : memref<100000xi32, #tpu.memory_space<hbm>> -> memref<128xi32, #tpu.memory_space<hbm>>
        %dma_start3A_229 = tpu.memref_slice %arg4[%min3A_228] : memref<100000xi32, #tpu.memory_space<hbm>> -> memref<128xi32, #tpu.memory_space<hbm>>
        tpu.enqueue_dma source(%dma_start3A_229 : memref<128xi32, #tpu.memory_space<hbm>>) target(%arg6 : memref<128xi32, #tpu.memory_space<vmem>>) target_semaphore(%arg26 : memref<!tpu.dma_semaphore, #tpu.memory_space<semaphore_mem>>)
      } else {
      }
      %mul3A_118 = arith.constant 5 : i32
      %mul3A_119 = arith.muli %scan3A_91, %mul3A_118 : i32
      %add3A_120 = arith.constant 1 : i32
      %add3A_121 = arith.addi %mul3A_119, %add3A_120 : i32
      %lt3A_122 = arith.cmpi slt, %add3A_121, %add3A_3 : i32
      %convert_element_type3A_123 = arith.extui %lt3A_122 : i1 to i32
      %cond3A_124 = arith.constant 0 : i32
      %cond3A_125 = arith.cmpi ne, %convert_element_type3A_123, %cond3A_124 : i32
      scf.if %cond3A_125 {
        %dma_wait3A = arith.constant 0 : i32
        %dma_wait3A_222 = arith.constant 0 : i32
        %dma_wait3A_223 = tpu.memref_slice %arg2[%dma_wait3A, %dma_wait3A_222] : memref<100000x128xf32, #tpu.memory_space<hbm>> -> memref<100000x128xf32, #tpu.memory_space<hbm>>
        tpu.wait_indirect_dma semaphore(%arg17 : memref<!tpu.dma_semaphore, #tpu.memory_space<semaphore_mem>>) src(%dma_wait3A_223 : memref<100000x128xf32, #tpu.memory_space<hbm>>) dst(%arg12 : memref<128x128xf32, #tpu.memory_space<vmem>>)
        %add3A_224 = arith.addi %add3A_7, %add3A_121 : i32
        %mul3A_225 = arith.constant 128 : i32
        %mul3A_226 = arith.muli %add3A_224, %mul3A_225 : i32
        %min3A_227 = arith.constant 99872 : i32
        %min3A_228 = arith.minsi %mul3A_226, %min3A_227 : i32
        %dma_start3A = arith.constant 0 : i32
        %dma_start3A_229 = tpu.memref_slice %arg5[%min3A_228, %dma_start3A] : memref<100000x128xf32, #tpu.memory_space<hbm>> -> memref<128x128xf32, #tpu.memory_space<hbm>>
        %dma_start3A_230 = arith.constant 0 : i32
        %dma_start3A_231 = tpu.memref_slice %arg5[%min3A_228, %dma_start3A_230] : memref<100000x128xf32, #tpu.memory_space<hbm>> -> memref<128x128xf32, #tpu.memory_space<hbm>>
        tpu.enqueue_dma source(%arg12 : memref<128x128xf32, #tpu.memory_space<vmem>>) target(%dma_start3A_231 : memref<128x128xf32, #tpu.memory_space<hbm>>) target_semaphore(%arg22 : memref<!tpu.dma_semaphore, #tpu.memory_space<semaphore_mem>>)
      } else {
      }
      %add3A_126 = arith.constant 2 : i32
      %add3A_127 = arith.addi %add3A_121, %add3A_126 : i32
      %lt3A_128 = arith.cmpi slt, %add3A_127, %add3A_3 : i32
      %convert_element_type3A_129 = arith.extui %lt3A_128 : i1 to i32
      %cond3A_130 = arith.constant 0 : i32
      %cond3A_131 = arith.cmpi ne, %convert_element_type3A_129, %cond3A_130 : i32
      scf.if %cond3A_131 {
        %dma_wait3A = arith.constant 0 : i32
        %dma_wait3A_222 = arith.constant 0 : i32
        %dma_wait3A_223 = tpu.memref_slice %arg2[%dma_wait3A, %dma_wait3A_222] : memref<100000x128xf32, #tpu.memory_space<hbm>> -> memref<100000x128xf32, #tpu.memory_space<hbm>>
        tpu.wait_indirect_dma semaphore(%arg19 : memref<!tpu.dma_semaphore, #tpu.memory_space<semaphore_mem>>) src(%dma_wait3A_223 : memref<100000x128xf32, #tpu.memory_space<hbm>>) dst(%arg14 : memref<128x128xf32, #tpu.memory_space<vmem>>)
        %dma_start3A = arith.constant 0 : i32
        %dma_start3A_224 = arith.constant 0 : i32
        %dma_start3A_225 = tpu.memref_slice %arg3[%dma_start3A, %dma_start3A_224] : memref<100000x128xf32, #tpu.memory_space<hbm>> -> memref<100000x128xf32, #tpu.memory_space<hbm>>
        tpu.enqueue_indirect_dma source(%dma_start3A_225 : memref<100000x128xf32, #tpu.memory_space<hbm>>) target(%arg14 : memref<128x128xf32, #tpu.memory_space<vmem>>) offsets(%arg9 : memref<128xi32, #tpu.memory_space<vmem>>) semaphore(%arg19 : memref<!tpu.dma_semaphore, #tpu.memory_space<semaphore_mem>>) {add = true}
      } else {
      }
      %add3A_132 = arith.constant 4 : i32
      %add3A_133 = arith.addi %add3A_121, %add3A_132 : i32
      %lt3A_134 = arith.cmpi slt, %add3A_133, %add3A_3 : i32
      %convert_element_type3A_135 = arith.extui %lt3A_134 : i1 to i32
      %cond3A_136 = arith.constant 0 : i32
      %cond3A_137 = arith.cmpi ne, %convert_element_type3A_135, %cond3A_136 : i32
      scf.if %cond3A_137 {
        %ge3A = arith.constant 1 : i32
        %ge3A_222 = arith.cmpi sge, %add3A_121, %ge3A : i32
        %convert_element_type3A_223 = arith.extui %ge3A_222 : i1 to i32
        %cond3A_224 = arith.constant 0 : i32
        %cond3A_225 = arith.cmpi ne, %convert_element_type3A_223, %cond3A_224 : i32
        scf.if %cond3A_225 {
          %dma_wait3A_231 = arith.constant 0 : i32
          %dma_wait3A_232 = arith.constant 0 : i32
          %dma_wait3A_233 = tpu.memref_slice %arg5[%dma_wait3A_231, %dma_wait3A_232] : memref<100000x128xf32, #tpu.memory_space<hbm>> -> memref<128x128xf32, #tpu.memory_space<hbm>>
          %dma_wait3A_234 = arith.constant 0 : i32
          %dma_wait3A_235 = arith.constant 0 : i32
          %dma_wait3A_236 = tpu.memref_slice %arg5[%dma_wait3A_234, %dma_wait3A_235] : memref<100000x128xf32, #tpu.memory_space<hbm>> -> memref<128x128xf32, #tpu.memory_space<hbm>>
          tpu.wait_dma2 semaphore(%arg21 : memref<!tpu.dma_semaphore, #tpu.memory_space<semaphore_mem>>) src(%arg11 : memref<128x128xf32, #tpu.memory_space<vmem>>) dst(%dma_wait3A_236 : memref<128x128xf32, #tpu.memory_space<hbm>>)
        } else {
        }
        %dma_wait3A = arith.constant 0 : i32
        %dma_wait3A_226 = tpu.memref_slice %arg4[%dma_wait3A] : memref<100000xi32, #tpu.memory_space<hbm>> -> memref<128xi32, #tpu.memory_space<hbm>>
        %dma_wait3A_227 = arith.constant 0 : i32
        %dma_wait3A_228 = tpu.memref_slice %arg4[%dma_wait3A_227] : memref<100000xi32, #tpu.memory_space<hbm>> -> memref<128xi32, #tpu.memory_space<hbm>>
        tpu.wait_dma2 semaphore(%arg26 : memref<!tpu.dma_semaphore, #tpu.memory_space<semaphore_mem>>) src(%dma_wait3A_228 : memref<128xi32, #tpu.memory_space<hbm>>) dst(%arg6 : memref<128xi32, #tpu.memory_space<vmem>>)
        %dma_start3A = arith.constant 0 : i32
        %dma_start3A_229 = arith.constant 0 : i32
        %dma_start3A_230 = tpu.memref_slice %arg2[%dma_start3A, %dma_start3A_229] : memref<100000x128xf32, #tpu.memory_space<hbm>> -> memref<100000x128xf32, #tpu.memory_space<hbm>>
        tpu.enqueue_indirect_dma source(%dma_start3A_230 : memref<100000x128xf32, #tpu.memory_space<hbm>>) target(%arg11 : memref<128x128xf32, #tpu.memory_space<vmem>>) offsets(%arg6 : memref<128xi32, #tpu.memory_space<vmem>>) semaphore(%arg16 : memref<!tpu.dma_semaphore, #tpu.memory_space<semaphore_mem>>)
      } else {
      }
      %add3A_138 = arith.constant 5 : i32
      %add3A_139 = arith.addi %add3A_121, %add3A_138 : i32
      %lt3A_140 = arith.cmpi slt, %add3A_139, %add3A_3 : i32
      %convert_element_type3A_141 = arith.extui %lt3A_140 : i1 to i32
      %cond3A_142 = arith.constant 0 : i32
      %cond3A_143 = arith.cmpi ne, %convert_element_type3A_141, %cond3A_142 : i32
      scf.if %cond3A_143 {
        %add3A_222 = arith.constant 5 : i32
        %add3A_223 = arith.addi %add3A_121, %add3A_222 : i32
        %add3A_224 = arith.addi %add3A_7, %add3A_223 : i32
        %mul3A_225 = arith.constant 128 : i32
        %mul3A_226 = arith.muli %add3A_224, %mul3A_225 : i32
        %min3A_227 = arith.constant 99872 : i32
        %min3A_228 = arith.minsi %mul3A_226, %min3A_227 : i32
        %dma_start3A = tpu.memref_slice %arg4[%min3A_228] : memref<100000xi32, #tpu.memory_space<hbm>> -> memref<128xi32, #tpu.memory_space<hbm>>
        %dma_start3A_229 = tpu.memref_slice %arg4[%min3A_228] : memref<100000xi32, #tpu.memory_space<hbm>> -> memref<128xi32, #tpu.memory_space<hbm>>
        tpu.enqueue_dma source(%dma_start3A_229 : memref<128xi32, #tpu.memory_space<hbm>>) target(%arg7 : memref<128xi32, #tpu.memory_space<vmem>>) target_semaphore(%arg27 : memref<!tpu.dma_semaphore, #tpu.memory_space<semaphore_mem>>)
      } else {
      }
      %mul3A_144 = arith.constant 5 : i32
      %mul3A_145 = arith.muli %scan3A_91, %mul3A_144 : i32
      %add3A_146 = arith.constant 2 : i32
      %add3A_147 = arith.addi %mul3A_145, %add3A_146 : i32
      %lt3A_148 = arith.cmpi slt, %add3A_147, %add3A_3 : i32
      %convert_element_type3A_149 = arith.extui %lt3A_148 : i1 to i32
      %cond3A_150 = arith.constant 0 : i32
      %cond3A_151 = arith.cmpi ne, %convert_element_type3A_149, %cond3A_150 : i32
      scf.if %cond3A_151 {
        %dma_wait3A = arith.constant 0 : i32
        %dma_wait3A_222 = arith.constant 0 : i32
        %dma_wait3A_223 = tpu.memref_slice %arg2[%dma_wait3A, %dma_wait3A_222] : memref<100000x128xf32, #tpu.memory_space<hbm>> -> memref<100000x128xf32, #tpu.memory_space<hbm>>
        tpu.wait_indirect_dma semaphore(%arg18 : memref<!tpu.dma_semaphore, #tpu.memory_space<semaphore_mem>>) src(%dma_wait3A_223 : memref<100000x128xf32, #tpu.memory_space<hbm>>) dst(%arg13 : memref<128x128xf32, #tpu.memory_space<vmem>>)
        %add3A_224 = arith.addi %add3A_7, %add3A_147 : i32
        %mul3A_225 = arith.constant 128 : i32
        %mul3A_226 = arith.muli %add3A_224, %mul3A_225 : i32
        %min3A_227 = arith.constant 99872 : i32
        %min3A_228 = arith.minsi %mul3A_226, %min3A_227 : i32
        %dma_start3A = arith.constant 0 : i32
        %dma_start3A_229 = tpu.memref_slice %arg5[%min3A_228, %dma_start3A] : memref<100000x128xf32, #tpu.memory_space<hbm>> -> memref<128x128xf32, #tpu.memory_space<hbm>>
        %dma_start3A_230 = arith.constant 0 : i32
        %dma_start3A_231 = tpu.memref_slice %arg5[%min3A_228, %dma_start3A_230] : memref<100000x128xf32, #tpu.memory_space<hbm>> -> memref<128x128xf32, #tpu.memory_space<hbm>>
        tpu.enqueue_dma source(%arg13 : memref<128x128xf32, #tpu.memory_space<vmem>>) target(%dma_start3A_231 : memref<128x128xf32, #tpu.memory_space<hbm>>) target_semaphore(%arg23 : memref<!tpu.dma_semaphore, #tpu.memory_space<semaphore_mem>>)
      } else {
      }
      %add3A_152 = arith.constant 2 : i32
      %add3A_153 = arith.addi %add3A_147, %add3A_152 : i32
      %lt3A_154 = arith.cmpi slt, %add3A_153, %add3A_3 : i32
      %convert_element_type3A_155 = arith.extui %lt3A_154 : i1 to i32
      %cond3A_156 = arith.constant 0 : i32
      %cond3A_157 = arith.cmpi ne, %convert_element_type3A_155, %cond3A_156 : i32
      scf.if %cond3A_157 {
        %dma_wait3A = arith.constant 0 : i32
        %dma_wait3A_222 = arith.constant 0 : i32
        %dma_wait3A_223 = tpu.memref_slice %arg2[%dma_wait3A, %dma_wait3A_222] : memref<100000x128xf32, #tpu.memory_space<hbm>> -> memref<100000x128xf32, #tpu.memory_space<hbm>>
        tpu.wait_indirect_dma semaphore(%arg20 : memref<!tpu.dma_semaphore, #tpu.memory_space<semaphore_mem>>) src(%dma_wait3A_223 : memref<100000x128xf32, #tpu.memory_space<hbm>>) dst(%arg15 : memref<128x128xf32, #tpu.memory_space<vmem>>)
        %dma_start3A = arith.constant 0 : i32
        %dma_start3A_224 = arith.constant 0 : i32
        %dma_start3A_225 = tpu.memref_slice %arg3[%dma_start3A, %dma_start3A_224] : memref<100000x128xf32, #tpu.memory_space<hbm>> -> memref<100000x128xf32, #tpu.memory_space<hbm>>
        tpu.enqueue_indirect_dma source(%dma_start3A_225 : memref<100000x128xf32, #tpu.memory_space<hbm>>) target(%arg15 : memref<128x128xf32, #tpu.memory_space<vmem>>) offsets(%arg10 : memref<128xi32, #tpu.memory_space<vmem>>) semaphore(%arg20 : memref<!tpu.dma_semaphore, #tpu.memory_space<semaphore_mem>>) {add = true}
      } else {
      }
      %add3A_158 = arith.constant 4 : i32
      %add3A_159 = arith.addi %add3A_147, %add3A_158 : i32
      %lt3A_160 = arith.cmpi slt, %add3A_159, %add3A_3 : i32
      %convert_element_type3A_161 = arith.extui %lt3A_160 : i1 to i32
      %cond3A_162 = arith.constant 0 : i32
      %cond3A_163 = arith.cmpi ne, %convert_element_type3A_161, %cond3A_162 : i32
      scf.if %cond3A_163 {
        %ge3A = arith.constant 1 : i32
        %ge3A_222 = arith.cmpi sge, %add3A_147, %ge3A : i32
        %convert_element_type3A_223 = arith.extui %ge3A_222 : i1 to i32
        %cond3A_224 = arith.constant 0 : i32
        %cond3A_225 = arith.cmpi ne, %convert_element_type3A_223, %cond3A_224 : i32
        scf.if %cond3A_225 {
          %dma_wait3A_231 = arith.constant 0 : i32
          %dma_wait3A_232 = arith.constant 0 : i32
          %dma_wait3A_233 = tpu.memref_slice %arg5[%dma_wait3A_231, %dma_wait3A_232] : memref<100000x128xf32, #tpu.memory_space<hbm>> -> memref<128x128xf32, #tpu.memory_space<hbm>>
          %dma_wait3A_234 = arith.constant 0 : i32
          %dma_wait3A_235 = arith.constant 0 : i32
          %dma_wait3A_236 = tpu.memref_slice %arg5[%dma_wait3A_234, %dma_wait3A_235] : memref<100000x128xf32, #tpu.memory_space<hbm>> -> memref<128x128xf32, #tpu.memory_space<hbm>>
          tpu.wait_dma2 semaphore(%arg22 : memref<!tpu.dma_semaphore, #tpu.memory_space<semaphore_mem>>) src(%arg12 : memref<128x128xf32, #tpu.memory_space<vmem>>) dst(%dma_wait3A_236 : memref<128x128xf32, #tpu.memory_space<hbm>>)
        } else {
        }
        %dma_wait3A = arith.constant 0 : i32
        %dma_wait3A_226 = tpu.memref_slice %arg4[%dma_wait3A] : memref<100000xi32, #tpu.memory_space<hbm>> -> memref<128xi32, #tpu.memory_space<hbm>>
        %dma_wait3A_227 = arith.constant 0 : i32
        %dma_wait3A_228 = tpu.memref_slice %arg4[%dma_wait3A_227] : memref<100000xi32, #tpu.memory_space<hbm>> -> memref<128xi32, #tpu.memory_space<hbm>>
        tpu.wait_dma2 semaphore(%arg27 : memref<!tpu.dma_semaphore, #tpu.memory_space<semaphore_mem>>) src(%dma_wait3A_228 : memref<128xi32, #tpu.memory_space<hbm>>) dst(%arg7 : memref<128xi32, #tpu.memory_space<vmem>>)
        %dma_start3A = arith.constant 0 : i32
        %dma_start3A_229 = arith.constant 0 : i32
        %dma_start3A_230 = tpu.memref_slice %arg2[%dma_start3A, %dma_start3A_229] : memref<100000x128xf32, #tpu.memory_space<hbm>> -> memref<100000x128xf32, #tpu.memory_space<hbm>>
        tpu.enqueue_indirect_dma source(%dma_start3A_230 : memref<100000x128xf32, #tpu.memory_space<hbm>>) target(%arg12 : memref<128x128xf32, #tpu.memory_space<vmem>>) offsets(%arg7 : memref<128xi32, #tpu.memory_space<vmem>>) semaphore(%arg17 : memref<!tpu.dma_semaphore, #tpu.memory_space<semaphore_mem>>)
      } else {
      }
      %add3A_164 = arith.constant 5 : i32
      %add3A_165 = arith.addi %add3A_147, %add3A_164 : i32
      %lt3A_166 = arith.cmpi slt, %add3A_165, %add3A_3 : i32
      %convert_element_type3A_167 = arith.extui %lt3A_166 : i1 to i32
      %cond3A_168 = arith.constant 0 : i32
      %cond3A_169 = arith.cmpi ne, %convert_element_type3A_167, %cond3A_168 : i32
      scf.if %cond3A_169 {
        %add3A_222 = arith.constant 5 : i32
        %add3A_223 = arith.addi %add3A_147, %add3A_222 : i32
        %add3A_224 = arith.addi %add3A_7, %add3A_223 : i32
        %mul3A_225 = arith.constant 128 : i32
        %mul3A_226 = arith.muli %add3A_224, %mul3A_225 : i32
        %min3A_227 = arith.constant 99872 : i32
        %min3A_228 = arith.minsi %mul3A_226, %min3A_227 : i32
        %dma_start3A = tpu.memref_slice %arg4[%min3A_228] : memref<100000xi32, #tpu.memory_space<hbm>> -> memref<128xi32, #tpu.memory_space<hbm>>
        %dma_start3A_229 = tpu.memref_slice %arg4[%min3A_228] : memref<100000xi32, #tpu.memory_space<hbm>> -> memref<128xi32, #tpu.memory_space<hbm>>
        tpu.enqueue_dma source(%dma_start3A_229 : memref<128xi32, #tpu.memory_space<hbm>>) target(%arg8 : memref<128xi32, #tpu.memory_space<vmem>>) target_semaphore(%arg28 : memref<!tpu.dma_semaphore, #tpu.memory_space<semaphore_mem>>)
      } else {
      }
      %mul3A_170 = arith.constant 5 : i32
      %mul3A_171 = arith.muli %scan3A_91, %mul3A_170 : i32
      %add3A_172 = arith.constant 3 : i32
      %add3A_173 = arith.addi %mul3A_171, %add3A_172 : i32
      %lt3A_174 = arith.cmpi slt, %add3A_173, %add3A_3 : i32
      %convert_element_type3A_175 = arith.extui %lt3A_174 : i1 to i32
      %cond3A_176 = arith.constant 0 : i32
      %cond3A_177 = arith.cmpi ne, %convert_element_type3A_175, %cond3A_176 : i32
      scf.if %cond3A_177 {
        %dma_wait3A = arith.constant 0 : i32
        %dma_wait3A_222 = arith.constant 0 : i32
        %dma_wait3A_223 = tpu.memref_slice %arg2[%dma_wait3A, %dma_wait3A_222] : memref<100000x128xf32, #tpu.memory_space<hbm>> -> memref<100000x128xf32, #tpu.memory_space<hbm>>
        tpu.wait_indirect_dma semaphore(%arg19 : memref<!tpu.dma_semaphore, #tpu.memory_space<semaphore_mem>>) src(%dma_wait3A_223 : memref<100000x128xf32, #tpu.memory_space<hbm>>) dst(%arg14 : memref<128x128xf32, #tpu.memory_space<vmem>>)
        %add3A_224 = arith.addi %add3A_7, %add3A_173 : i32
        %mul3A_225 = arith.constant 128 : i32
        %mul3A_226 = arith.muli %add3A_224, %mul3A_225 : i32
        %min3A_227 = arith.constant 99872 : i32
        %min3A_228 = arith.minsi %mul3A_226, %min3A_227 : i32
        %dma_start3A = arith.constant 0 : i32
        %dma_start3A_229 = tpu.memref_slice %arg5[%min3A_228, %dma_start3A] : memref<100000x128xf32, #tpu.memory_space<hbm>> -> memref<128x128xf32, #tpu.memory_space<hbm>>
        %dma_start3A_230 = arith.constant 0 : i32
        %dma_start3A_231 = tpu.memref_slice %arg5[%min3A_228, %dma_start3A_230] : memref<100000x128xf32, #tpu.memory_space<hbm>> -> memref<128x128xf32, #tpu.memory_space<hbm>>
        tpu.enqueue_dma source(%arg14 : memref<128x128xf32, #tpu.memory_space<vmem>>) target(%dma_start3A_231 : memref<128x128xf32, #tpu.memory_space<hbm>>) target_semaphore(%arg24 : memref<!tpu.dma_semaphore, #tpu.memory_space<semaphore_mem>>)
      } else {
      }
      %add3A_178 = arith.constant 2 : i32
      %add3A_179 = arith.addi %add3A_173, %add3A_178 : i32
      %lt3A_180 = arith.cmpi slt, %add3A_179, %add3A_3 : i32
      %convert_element_type3A_181 = arith.extui %lt3A_180 : i1 to i32
      %cond3A_182 = arith.constant 0 : i32
      %cond3A_183 = arith.cmpi ne, %convert_element_type3A_181, %cond3A_182 : i32
      scf.if %cond3A_183 {
        %dma_wait3A = arith.constant 0 : i32
        %dma_wait3A_222 = arith.constant 0 : i32
        %dma_wait3A_223 = tpu.memref_slice %arg2[%dma_wait3A, %dma_wait3A_222] : memref<100000x128xf32, #tpu.memory_space<hbm>> -> memref<100000x128xf32, #tpu.memory_space<hbm>>
        tpu.wait_indirect_dma semaphore(%arg16 : memref<!tpu.dma_semaphore, #tpu.memory_space<semaphore_mem>>) src(%dma_wait3A_223 : memref<100000x128xf32, #tpu.memory_space<hbm>>) dst(%arg11 : memref<128x128xf32, #tpu.memory_space<vmem>>)
        %dma_start3A = arith.constant 0 : i32
        %dma_start3A_224 = arith.constant 0 : i32
        %dma_start3A_225 = tpu.memref_slice %arg3[%dma_start3A, %dma_start3A_224] : memref<100000x128xf32, #tpu.memory_space<hbm>> -> memref<100000x128xf32, #tpu.memory_space<hbm>>
        tpu.enqueue_indirect_dma source(%dma_start3A_225 : memref<100000x128xf32, #tpu.memory_space<hbm>>) target(%arg11 : memref<128x128xf32, #tpu.memory_space<vmem>>) offsets(%arg6 : memref<128xi32, #tpu.memory_space<vmem>>) semaphore(%arg16 : memref<!tpu.dma_semaphore, #tpu.memory_space<semaphore_mem>>) {add = true}
      } else {
      }
      %add3A_184 = arith.constant 4 : i32
      %add3A_185 = arith.addi %add3A_173, %add3A_184 : i32
      %lt3A_186 = arith.cmpi slt, %add3A_185, %add3A_3 : i32
      %convert_element_type3A_187 = arith.extui %lt3A_186 : i1 to i32
      %cond3A_188 = arith.constant 0 : i32
      %cond3A_189 = arith.cmpi ne, %convert_element_type3A_187, %cond3A_188 : i32
      scf.if %cond3A_189 {
        %ge3A = arith.constant 1 : i32
        %ge3A_222 = arith.cmpi sge, %add3A_173, %ge3A : i32
        %convert_element_type3A_223 = arith.extui %ge3A_222 : i1 to i32
        %cond3A_224 = arith.constant 0 : i32
        %cond3A_225 = arith.cmpi ne, %convert_element_type3A_223, %cond3A_224 : i32
        scf.if %cond3A_225 {
          %dma_wait3A_231 = arith.constant 0 : i32
          %dma_wait3A_232 = arith.constant 0 : i32
          %dma_wait3A_233 = tpu.memref_slice %arg5[%dma_wait3A_231, %dma_wait3A_232] : memref<100000x128xf32, #tpu.memory_space<hbm>> -> memref<128x128xf32, #tpu.memory_space<hbm>>
          %dma_wait3A_234 = arith.constant 0 : i32
          %dma_wait3A_235 = arith.constant 0 : i32
          %dma_wait3A_236 = tpu.memref_slice %arg5[%dma_wait3A_234, %dma_wait3A_235] : memref<100000x128xf32, #tpu.memory_space<hbm>> -> memref<128x128xf32, #tpu.memory_space<hbm>>
          tpu.wait_dma2 semaphore(%arg23 : memref<!tpu.dma_semaphore, #tpu.memory_space<semaphore_mem>>) src(%arg13 : memref<128x128xf32, #tpu.memory_space<vmem>>) dst(%dma_wait3A_236 : memref<128x128xf32, #tpu.memory_space<hbm>>)
        } else {
        }
        %dma_wait3A = arith.constant 0 : i32
        %dma_wait3A_226 = tpu.memref_slice %arg4[%dma_wait3A] : memref<100000xi32, #tpu.memory_space<hbm>> -> memref<128xi32, #tpu.memory_space<hbm>>
        %dma_wait3A_227 = arith.constant 0 : i32
        %dma_wait3A_228 = tpu.memref_slice %arg4[%dma_wait3A_227] : memref<100000xi32, #tpu.memory_space<hbm>> -> memref<128xi32, #tpu.memory_space<hbm>>
        tpu.wait_dma2 semaphore(%arg28 : memref<!tpu.dma_semaphore, #tpu.memory_space<semaphore_mem>>) src(%dma_wait3A_228 : memref<128xi32, #tpu.memory_space<hbm>>) dst(%arg8 : memref<128xi32, #tpu.memory_space<vmem>>)
        %dma_start3A = arith.constant 0 : i32
        %dma_start3A_229 = arith.constant 0 : i32
        %dma_start3A_230 = tpu.memref_slice %arg2[%dma_start3A, %dma_start3A_229] : memref<100000x128xf32, #tpu.memory_space<hbm>> -> memref<100000x128xf32, #tpu.memory_space<hbm>>
        tpu.enqueue_indirect_dma source(%dma_start3A_230 : memref<100000x128xf32, #tpu.memory_space<hbm>>) target(%arg13 : memref<128x128xf32, #tpu.memory_space<vmem>>) offsets(%arg8 : memref<128xi32, #tpu.memory_space<vmem>>) semaphore(%arg18 : memref<!tpu.dma_semaphore, #tpu.memory_space<semaphore_mem>>)
      } else {
      }
      %add3A_190 = arith.constant 5 : i32
      %add3A_191 = arith.addi %add3A_173, %add3A_190 : i32
      %lt3A_192 = arith.cmpi slt, %add3A_191, %add3A_3 : i32
      %convert_element_type3A_193 = arith.extui %lt3A_192 : i1 to i32
      %cond3A_194 = arith.constant 0 : i32
      %cond3A_195 = arith.cmpi ne, %convert_element_type3A_193, %cond3A_194 : i32
      scf.if %cond3A_195 {
        %add3A_222 = arith.constant 5 : i32
        %add3A_223 = arith.addi %add3A_173, %add3A_222 : i32
        %add3A_224 = arith.addi %add3A_7, %add3A_223 : i32
        %mul3A_225 = arith.constant 128 : i32
        %mul3A_226 = arith.muli %add3A_224, %mul3A_225 : i32
        %min3A_227 = arith.constant 99872 : i32
        %min3A_228 = arith.minsi %mul3A_226, %min3A_227 : i32
        %dma_start3A = tpu.memref_slice %arg4[%min3A_228] : memref<100000xi32, #tpu.memory_space<hbm>> -> memref<128xi32, #tpu.memory_space<hbm>>
        %dma_start3A_229 = tpu.memref_slice %arg4[%min3A_228] : memref<100000xi32, #tpu.memory_space<hbm>> -> memref<128xi32, #tpu.memory_space<hbm>>
        tpu.enqueue_dma source(%dma_start3A_229 : memref<128xi32, #tpu.memory_space<hbm>>) target(%arg9 : memref<128xi32, #tpu.memory_space<vmem>>) target_semaphore(%arg29 : memref<!tpu.dma_semaphore, #tpu.memory_space<semaphore_mem>>)
      } else {
      }
      %mul3A_196 = arith.constant 5 : i32
      %mul3A_197 = arith.muli %scan3A_91, %mul3A_196 : i32
      %add3A_198 = arith.constant 4 : i32
      %add3A_199 = arith.addi %mul3A_197, %add3A_198 : i32
      %lt3A_200 = arith.cmpi slt, %add3A_199, %add3A_3 : i32
      %convert_element_type3A_201 = arith.extui %lt3A_200 : i1 to i32
      %cond3A_202 = arith.constant 0 : i32
      %cond3A_203 = arith.cmpi ne, %convert_element_type3A_201, %cond3A_202 : i32
      scf.if %cond3A_203 {
        %dma_wait3A = arith.constant 0 : i32
        %dma_wait3A_222 = arith.constant 0 : i32
        %dma_wait3A_223 = tpu.memref_slice %arg2[%dma_wait3A, %dma_wait3A_222] : memref<100000x128xf32, #tpu.memory_space<hbm>> -> memref<100000x128xf32, #tpu.memory_space<hbm>>
        tpu.wait_indirect_dma semaphore(%arg20 : memref<!tpu.dma_semaphore, #tpu.memory_space<semaphore_mem>>) src(%dma_wait3A_223 : memref<100000x128xf32, #tpu.memory_space<hbm>>) dst(%arg15 : memref<128x128xf32, #tpu.memory_space<vmem>>)
        %add3A_224 = arith.addi %add3A_7, %add3A_199 : i32
        %mul3A_225 = arith.constant 128 : i32
        %mul3A_226 = arith.muli %add3A_224, %mul3A_225 : i32
        %min3A_227 = arith.constant 99872 : i32
        %min3A_228 = arith.minsi %mul3A_226, %min3A_227 : i32
        %dma_start3A = arith.constant 0 : i32
        %dma_start3A_229 = tpu.memref_slice %arg5[%min3A_228, %dma_start3A] : memref<100000x128xf32, #tpu.memory_space<hbm>> -> memref<128x128xf32, #tpu.memory_space<hbm>>
        %dma_start3A_230 = arith.constant 0 : i32
        %dma_start3A_231 = tpu.memref_slice %arg5[%min3A_228, %dma_start3A_230] : memref<100000x128xf32, #tpu.memory_space<hbm>> -> memref<128x128xf32, #tpu.memory_space<hbm>>
        tpu.enqueue_dma source(%arg15 : memref<128x128xf32, #tpu.memory_space<vmem>>) target(%dma_start3A_231 : memref<128x128xf32, #tpu.memory_space<hbm>>) target_semaphore(%arg25 : memref<!tpu.dma_semaphore, #tpu.memory_space<semaphore_mem>>)
      } else {
      }
      %add3A_204 = arith.constant 2 : i32
      %add3A_205 = arith.addi %add3A_199, %add3A_204 : i32
      %lt3A_206 = arith.cmpi slt, %add3A_205, %add3A_3 : i32
      %convert_element_type3A_207 = arith.extui %lt3A_206 : i1 to i32
      %cond3A_208 = arith.constant 0 : i32
      %cond3A_209 = arith.cmpi ne, %convert_element_type3A_207, %cond3A_208 : i32
      scf.if %cond3A_209 {
        %dma_wait3A = arith.constant 0 : i32
        %dma_wait3A_222 = arith.constant 0 : i32
        %dma_wait3A_223 = tpu.memref_slice %arg2[%dma_wait3A, %dma_wait3A_222] : memref<100000x128xf32, #tpu.memory_space<hbm>> -> memref<100000x128xf32, #tpu.memory_space<hbm>>
        tpu.wait_indirect_dma semaphore(%arg17 : memref<!tpu.dma_semaphore, #tpu.memory_space<semaphore_mem>>) src(%dma_wait3A_223 : memref<100000x128xf32, #tpu.memory_space<hbm>>) dst(%arg12 : memref<128x128xf32, #tpu.memory_space<vmem>>)
        %dma_start3A = arith.constant 0 : i32
        %dma_start3A_224 = arith.constant 0 : i32
        %dma_start3A_225 = tpu.memref_slice %arg3[%dma_start3A, %dma_start3A_224] : memref<100000x128xf32, #tpu.memory_space<hbm>> -> memref<100000x128xf32, #tpu.memory_space<hbm>>
        tpu.enqueue_indirect_dma source(%dma_start3A_225 : memref<100000x128xf32, #tpu.memory_space<hbm>>) target(%arg12 : memref<128x128xf32, #tpu.memory_space<vmem>>) offsets(%arg7 : memref<128xi32, #tpu.memory_space<vmem>>) semaphore(%arg17 : memref<!tpu.dma_semaphore, #tpu.memory_space<semaphore_mem>>) {add = true}
      } else {
      }
      %add3A_210 = arith.constant 4 : i32
      %add3A_211 = arith.addi %add3A_199, %add3A_210 : i32
      %lt3A_212 = arith.cmpi slt, %add3A_211, %add3A_3 : i32
      %convert_element_type3A_213 = arith.extui %lt3A_212 : i1 to i32
      %cond3A_214 = arith.constant 0 : i32
      %cond3A_215 = arith.cmpi ne, %convert_element_type3A_213, %cond3A_214 : i32
      scf.if %cond3A_215 {
        %ge3A = arith.constant 1 : i32
        %ge3A_222 = arith.cmpi sge, %add3A_199, %ge3A : i32
        %convert_element_type3A_223 = arith.extui %ge3A_222 : i1 to i32
        %cond3A_224 = arith.constant 0 : i32
        %cond3A_225 = arith.cmpi ne, %convert_element_type3A_223, %cond3A_224 : i32
        scf.if %cond3A_225 {
          %dma_wait3A_231 = arith.constant 0 : i32
          %dma_wait3A_232 = arith.constant 0 : i32
          %dma_wait3A_233 = tpu.memref_slice %arg5[%dma_wait3A_231, %dma_wait3A_232] : memref<100000x128xf32, #tpu.memory_space<hbm>> -> memref<128x128xf32, #tpu.memory_space<hbm>>
          %dma_wait3A_234 = arith.constant 0 : i32
          %dma_wait3A_235 = arith.constant 0 : i32
          %dma_wait3A_236 = tpu.memref_slice %arg5[%dma_wait3A_234, %dma_wait3A_235] : memref<100000x128xf32, #tpu.memory_space<hbm>> -> memref<128x128xf32, #tpu.memory_space<hbm>>
          tpu.wait_dma2 semaphore(%arg24 : memref<!tpu.dma_semaphore, #tpu.memory_space<semaphore_mem>>) src(%arg14 : memref<128x128xf32, #tpu.memory_space<vmem>>) dst(%dma_wait3A_236 : memref<128x128xf32, #tpu.memory_space<hbm>>)
        } else {
        }
        %dma_wait3A = arith.constant 0 : i32
        %dma_wait3A_226 = tpu.memref_slice %arg4[%dma_wait3A] : memref<100000xi32, #tpu.memory_space<hbm>> -> memref<128xi32, #tpu.memory_space<hbm>>
        %dma_wait3A_227 = arith.constant 0 : i32
        %dma_wait3A_228 = tpu.memref_slice %arg4[%dma_wait3A_227] : memref<100000xi32, #tpu.memory_space<hbm>> -> memref<128xi32, #tpu.memory_space<hbm>>
        tpu.wait_dma2 semaphore(%arg29 : memref<!tpu.dma_semaphore, #tpu.memory_space<semaphore_mem>>) src(%dma_wait3A_228 : memref<128xi32, #tpu.memory_space<hbm>>) dst(%arg9 : memref<128xi32, #tpu.memory_space<vmem>>)
        %dma_start3A = arith.constant 0 : i32
        %dma_start3A_229 = arith.constant 0 : i32
        %dma_start3A_230 = tpu.memref_slice %arg2[%dma_start3A, %dma_start3A_229] : memref<100000x128xf32, #tpu.memory_space<hbm>> -> memref<100000x128xf32, #tpu.memory_space<hbm>>
        tpu.enqueue_indirect_dma source(%dma_start3A_230 : memref<100000x128xf32, #tpu.memory_space<hbm>>) target(%arg14 : memref<128x128xf32, #tpu.memory_space<vmem>>) offsets(%arg9 : memref<128xi32, #tpu.memory_space<vmem>>) semaphore(%arg19 : memref<!tpu.dma_semaphore, #tpu.memory_space<semaphore_mem>>)
      } else {
      }
      %add3A_216 = arith.constant 5 : i32
      %add3A_217 = arith.addi %add3A_199, %add3A_216 : i32
      %lt3A_218 = arith.cmpi slt, %add3A_217, %add3A_3 : i32
      %convert_element_type3A_219 = arith.extui %lt3A_218 : i1 to i32
      %cond3A_220 = arith.constant 0 : i32
      %cond3A_221 = arith.cmpi ne, %convert_element_type3A_219, %cond3A_220 : i32
      scf.if %cond3A_221 {
        %add3A_222 = arith.constant 5 : i32
        %add3A_223 = arith.addi %add3A_199, %add3A_222 : i32
        %add3A_224 = arith.addi %add3A_7, %add3A_223 : i32
        %mul3A_225 = arith.constant 128 : i32
        %mul3A_226 = arith.muli %add3A_224, %mul3A_225 : i32
        %min3A_227 = arith.constant 99872 : i32
        %min3A_228 = arith.minsi %mul3A_226, %min3A_227 : i32
        %dma_start3A = tpu.memref_slice %arg4[%min3A_228] : memref<100000xi32, #tpu.memory_space<hbm>> -> memref<128xi32, #tpu.memory_space<hbm>>
        %dma_start3A_229 = tpu.memref_slice %arg4[%min3A_228] : memref<100000xi32, #tpu.memory_space<hbm>> -> memref<128xi32, #tpu.memory_space<hbm>>
        tpu.enqueue_dma source(%dma_start3A_229 : memref<128xi32, #tpu.memory_space<hbm>>) target(%arg10 : memref<128xi32, #tpu.memory_space<vmem>>) target_semaphore(%arg30 : memref<!tpu.dma_semaphore, #tpu.memory_space<semaphore_mem>>)
      } else {
      }
    }
    %scan3A_65 = arith.constant 5 : i32
    %gt3A_66 = arith.constant 0 : i32
    %gt3A_67 = arith.cmpi sgt, %add3A_3, %gt3A_66 : i32
    %convert_element_type3A_68 = arith.extui %gt3A_67 : i1 to i32
    %cond3A_69 = arith.constant 0 : i32
    %cond3A_70 = arith.cmpi ne, %convert_element_type3A_68, %cond3A_69 : i32
    scf.if %cond3A_70 {
      %dma_wait3A = arith.constant 0 : i32
      %dma_wait3A_91 = arith.constant 0 : i32
      %dma_wait3A_92 = tpu.memref_slice %arg5[%dma_wait3A, %dma_wait3A_91] : memref<100000x128xf32, #tpu.memory_space<hbm>> -> memref<128x128xf32, #tpu.memory_space<hbm>>
      %dma_wait3A_93 = arith.constant 0 : i32
      %dma_wait3A_94 = arith.constant 0 : i32
      %dma_wait3A_95 = tpu.memref_slice %arg5[%dma_wait3A_93, %dma_wait3A_94] : memref<100000x128xf32, #tpu.memory_space<hbm>> -> memref<128x128xf32, #tpu.memory_space<hbm>>
      tpu.wait_dma2 semaphore(%arg21 : memref<!tpu.dma_semaphore, #tpu.memory_space<semaphore_mem>>) src(%arg11 : memref<128x128xf32, #tpu.memory_space<vmem>>) dst(%dma_wait3A_95 : memref<128x128xf32, #tpu.memory_space<hbm>>)
    } else {
    }
    %gt3A_71 = arith.constant 1 : i32
    %gt3A_72 = arith.cmpi sgt, %add3A_3, %gt3A_71 : i32
    %convert_element_type3A_73 = arith.extui %gt3A_72 : i1 to i32
    %cond3A_74 = arith.constant 0 : i32
    %cond3A_75 = arith.cmpi ne, %convert_element_type3A_73, %cond3A_74 : i32
    scf.if %cond3A_75 {
      %dma_wait3A = arith.constant 0 : i32
      %dma_wait3A_91 = arith.constant 0 : i32
      %dma_wait3A_92 = tpu.memref_slice %arg5[%dma_wait3A, %dma_wait3A_91] : memref<100000x128xf32, #tpu.memory_space<hbm>> -> memref<128x128xf32, #tpu.memory_space<hbm>>
      %dma_wait3A_93 = arith.constant 0 : i32
      %dma_wait3A_94 = arith.constant 0 : i32
      %dma_wait3A_95 = tpu.memref_slice %arg5[%dma_wait3A_93, %dma_wait3A_94] : memref<100000x128xf32, #tpu.memory_space<hbm>> -> memref<128x128xf32, #tpu.memory_space<hbm>>
      tpu.wait_dma2 semaphore(%arg22 : memref<!tpu.dma_semaphore, #tpu.memory_space<semaphore_mem>>) src(%arg12 : memref<128x128xf32, #tpu.memory_space<vmem>>) dst(%dma_wait3A_95 : memref<128x128xf32, #tpu.memory_space<hbm>>)
    } else {
    }
    %gt3A_76 = arith.constant 2 : i32
    %gt3A_77 = arith.cmpi sgt, %add3A_3, %gt3A_76 : i32
    %convert_element_type3A_78 = arith.extui %gt3A_77 : i1 to i32
    %cond3A_79 = arith.constant 0 : i32
    %cond3A_80 = arith.cmpi ne, %convert_element_type3A_78, %cond3A_79 : i32
    scf.if %cond3A_80 {
      %dma_wait3A = arith.constant 0 : i32
      %dma_wait3A_91 = arith.constant 0 : i32
      %dma_wait3A_92 = tpu.memref_slice %arg5[%dma_wait3A, %dma_wait3A_91] : memref<100000x128xf32, #tpu.memory_space<hbm>> -> memref<128x128xf32, #tpu.memory_space<hbm>>
      %dma_wait3A_93 = arith.constant 0 : i32
      %dma_wait3A_94 = arith.constant 0 : i32
      %dma_wait3A_95 = tpu.memref_slice %arg5[%dma_wait3A_93, %dma_wait3A_94] : memref<100000x128xf32, #tpu.memory_space<hbm>> -> memref<128x128xf32, #tpu.memory_space<hbm>>
      tpu.wait_dma2 semaphore(%arg23 : memref<!tpu.dma_semaphore, #tpu.memory_space<semaphore_mem>>) src(%arg13 : memref<128x128xf32, #tpu.memory_space<vmem>>) dst(%dma_wait3A_95 : memref<128x128xf32, #tpu.memory_space<hbm>>)
    } else {
    }
    %gt3A_81 = arith.constant 3 : i32
    %gt3A_82 = arith.cmpi sgt, %add3A_3, %gt3A_81 : i32
    %convert_element_type3A_83 = arith.extui %gt3A_82 : i1 to i32
    %cond3A_84 = arith.constant 0 : i32
    %cond3A_85 = arith.cmpi ne, %convert_element_type3A_83, %cond3A_84 : i32
    scf.if %cond3A_85 {
      %dma_wait3A = arith.constant 0 : i32
      %dma_wait3A_91 = arith.constant 0 : i32
      %dma_wait3A_92 = tpu.memref_slice %arg5[%dma_wait3A, %dma_wait3A_91] : memref<100000x128xf32, #tpu.memory_space<hbm>> -> memref<128x128xf32, #tpu.memory_space<hbm>>
      %dma_wait3A_93 = arith.constant 0 : i32
      %dma_wait3A_94 = arith.constant 0 : i32
      %dma_wait3A_95 = tpu.memref_slice %arg5[%dma_wait3A_93, %dma_wait3A_94] : memref<100000x128xf32, #tpu.memory_space<hbm>> -> memref<128x128xf32, #tpu.memory_space<hbm>>
      tpu.wait_dma2 semaphore(%arg24 : memref<!tpu.dma_semaphore, #tpu.memory_space<semaphore_mem>>) src(%arg14 : memref<128x128xf32, #tpu.memory_space<vmem>>) dst(%dma_wait3A_95 : memref<128x128xf32, #tpu.memory_space<hbm>>)
    } else {
    }
    %gt3A_86 = arith.constant 4 : i32
    %gt3A_87 = arith.cmpi sgt, %add3A_3, %gt3A_86 : i32
    %convert_element_type3A_88 = arith.extui %gt3A_87 : i1 to i32
    %cond3A_89 = arith.constant 0 : i32
    %cond3A_90 = arith.cmpi ne, %convert_element_type3A_88, %cond3A_89 : i32
    scf.if %cond3A_90 {
      %dma_wait3A = arith.constant 0 : i32
      %dma_wait3A_91 = arith.constant 0 : i32
      %dma_wait3A_92 = tpu.memref_slice %arg5[%dma_wait3A, %dma_wait3A_91] : memref<100000x128xf32, #tpu.memory_space<hbm>> -> memref<128x128xf32, #tpu.memory_space<hbm>>
      %dma_wait3A_93 = arith.constant 0 : i32
      %dma_wait3A_94 = arith.constant 0 : i32
      %dma_wait3A_95 = tpu.memref_slice %arg5[%dma_wait3A_93, %dma_wait3A_94] : memref<100000x128xf32, #tpu.memory_space<hbm>> -> memref<128x128xf32, #tpu.memory_space<hbm>>
      tpu.wait_dma2 semaphore(%arg25 : memref<!tpu.dma_semaphore, #tpu.memory_space<semaphore_mem>>) src(%arg15 : memref<128x128xf32, #tpu.memory_space<vmem>>) dst(%dma_wait3A_95 : memref<128x128xf32, #tpu.memory_space<hbm>>)
    } else {
    }
    return
  }
}

</mosaic_0001>

<sc_bundles>
// kernel: kernel.3.cloned.1.call-start
scs
__scs_entry_jumppad:
0x0: {  	(pc) =	sbr.rel $0x88, $3  }
0x1: {  	(tag) =	ssettag $0x0;
	lr =	simm.s32 $0x1  }
0x2: {  	[smem:$0x3F9E] =	sst lr;
	_ =	strace $0xD0000000  }
0x3: {  	_ = 	snop  }
0x4: {  	_ = 	snop  }
0x5: {  	_ = 	snop  }
0x6: {  	_ = 	snop  }
0x7: {  	_ = 	snop  }
__scs_overlays_trampoline_lowered:
0x8: {  	[smem:$0x3FAD] =	sst s0  }
0x9: {  	[smem:$0x3FAE] =	sst s1  }
0xa: {  	[smem:$0x3FAF] =	sst s2  }
0xb: {  	[smem:$0x3FB0] =	sst s3  }
0xc: {  	[smem:$0x3FB1] =	sst s4  }
0xd: {  	[smem:$0x3FB2] =	sst s5  }
0xe: {  	[smem:$0x3FB3] =	sst s6  }
0xf: {  	[smem:$0x3FB4] =	sst s7  }
0x10: {  	[smem:$0x3FB5] =	sst s8  }
0x11: {  	[smem:$0x3FB6] =	sst s9;
	s0 =	simm.s32 @!p0 $0x0  }
0x12: {  	s1 =	sld [smem:$0x3F9C];
	s0 =	simm.s32 @p0 $0x1  }
0x13: {  	[smem:$0x3FB7] =	sst s0;
	s0 =	simm.s32 @!p1 $0x0  }
0x14: {  	s2 =	sld [smem:$0x3F9B];
	s0 =	simm.s32 @p1 $0x1  }
0x15: {  	[smem:$0x3FB8] =	sst s0;
	s0 =	simm.s32 @!p2 $0x0  }
0x16: {  	s3 =	sld [smem:$0x3FDB];
	s0 =	simm.s32 @p2 $0x1  }
0x17: {  	s4 =	simm.s32 $0x1BF5;
	[smem:$0x3FBA] =	sst s0  }
0x18: {  	s0 =	sld [smem:$0x3F9D];
	_ =	swait.ge [sflag:s4], $0x0  }
0x19: {  	s7 =	sld [smem:$0x3F9E]  }
0x1a: {  	s8 =	sadd.s32 $0xFFFFE003, lr  }
0x1b: {  	s9 =	sadd.s32 $0xFFFFFEF7, lr;
	s5 =	simm.s32 $0xFFFFFFFF;
	p2 =	slt.u32 s8, $0xFFFFF086  }
0x1c: {  	p1 =	slt.u32 s9, $0xF7A;
	s5 =	simm.s32 @!p2 $0x0  }
0x1d: {  	s5 =	simm.s32 @p1 $0x1;
	p0 =	seq.s32 s7, s2  }
0x1e: {  	s7 =	smul.u32 @!p0 $0xF7A, s2;
	p2 =	seq.s32 @!p0 s5, $0x0  }
0x1f: {  	s9 =	smul.u32 $0xF7A, s1;
	s8 =	simm.s32 @!p0 $0x1BF5;
	p2 =	por !p2, p0  }
0x20: {  	[sflag:s8] =	ssyncset.s32 @!p0 $0xFFFFF086;
	s6 =	sadd.s32 @!p0 s3, s7;
	s7 =	simm.s32 @!p0 $0x108  }
0x21: {  	s3 =	sadd.s32 s3, s9;
	s6 =	sadd.s32 @!p0 $0x88, s6;
	s7 =	simm.s32 @p2 $0x1082  }
0x22: {  	[simem:s7], [sflag:s8] =	dma.local @!p0 [hbm:s6], $0xF7A  }
0x23: {  	s9 =	sor.u32 $0xD0000000, s2;
	s6 =	simm.s32 $0x108;
	_ =	swait.ge @!p0 [sflag:s8], $0x0  }
0x24: {  	s3 =	sadd.s32 $0x88, s3;
	s6 =	simm.s32 @!p1 $0x1082;
	[sflag:s4] =	ssyncset.s32 $0xFFFFF086  }
0x25: {  	[simem:s6], [sflag:s4] =	dma.local [hbm:s3], $0xF7A  }
0x26: {  	[smem:$0x3F9E] =	sst s1;
	(tag) =	ssettag s2;
	_ =	strace s9  }
0x27: {  	s1 =	sld [smem:$0x3FAE]  }
0x28: {  	s2 =	sld [smem:$0x3FAF]  }
0x29: {  	s4 =	sld [smem:$0x3FB1]  }
0x2a: {  	p0 =	seq.s32 s5, $0x0;
	s5 =	sld [smem:$0x3FB2]  }
0x2b: {  	s6 =	sld [smem:$0x3FB3]  }
0x2c: {  	s7 =	sld [smem:$0x3FB4]  }
0x2d: {  	s3 =	simm.s32 $0x108;
	s8 =	sld [smem:$0x3FB5]  }
0x2e: {  	s3 =	simm.s32 @!p0 $0x1082;
	s9 =	sld [smem:$0x3FB6]  }
0x2f: {  	lr =	sadd.s32 s0, s3;
	s0 =	sld [smem:$0x3FAD]  }
0x30: {  	s3 =	sld [smem:$0x3FB0]  }
0x31: {  	[smem:$0x3FB9] =	sst s10  }
0x32: {  	s10 =	sld [smem:$0x3FB7];
	_ =	sdelay $0x3  }
0x33: {  	p0 =	seq.s32 s10, $0x1;
	s10 =	sld [smem:$0x3FB9];
	_ =	sdelay $0x3  }
0x34: {  	[smem:$0x3FB9] =	sst s10  }
0x35: {  	s10 =	sld [smem:$0x3FB8];
	_ =	sdelay $0x3  }
0x36: {  	p1 =	seq.s32 s10, $0x1;
	s10 =	sld [smem:$0x3FB9];
	_ =	sdelay $0x3  }
0x37: {  	[smem:$0x3FB9] =	sst s10  }
0x38: {  	s10 =	sld [smem:$0x3FBA]  }
0x39: {  	_ = 	snop;
	(pc) =	sbr.ind lr, $3  }
0x3a: {  	_ = 	snop  }
0x3b: {  	_ = 	snop  }
0x3c: {  	p2 =	seq.s32 s10, $0x1;
	s10 =	sld [smem:$0x3FB9]  }
0x3d: {  	_ =	shalt  }
0x3e: {  	_ =	shalt  }
0x3f: {  	_ =	shalt  }
0x40: {  	_ =	shalt  }
0x41: {  	_ =	shalt  }
0x42: {  	_ =	shalt  }
0x43: {  	_ =	shalt  }
0x44: {  	_ =	shalt  }
0x45: {  	_ =	shalt  }
0x46: {  	_ =	shalt  }
0x47: {  	_ =	shalt  }
0x48: {  	_ =	shalt  }
0x49: {  	_ =	shalt  }
0x4a: {  	_ =	shalt  }
0x4b: {  	_ =	shalt  }
0x4c: {  	_ =	shalt  }
0x4d: {  	_ =	shalt  }
0x4e: {  	_ =	shalt  }
0x4f: {  	_ =	shalt  }
0x50: {  	_ =	shalt  }
0x51: {  	_ =	shalt  }
0x52: {  	_ =	shalt  }
0x53: {  	_ =	shalt  }
0x54: {  	_ =	shalt  }
0x55: {  	_ =	shalt  }
0x56: {  	_ =	shalt  }
0x57: {  	_ =	shalt  }
0x58: {  	_ =	shalt  }
0x59: {  	_ =	shalt  }
0x5a: {  	_ =	shalt  }
0x5b: {  	_ =	shalt  }
0x5c: {  	_ =	shalt  }
0x5d: {  	_ =	shalt  }
0x5e: {  	_ =	shalt  }
0x5f: {  	_ =	shalt  }
0x60: {  	_ =	shalt  }
0x61: {  	_ =	shalt  }
0x62: {  	_ =	shalt  }
0x63: {  	_ =	shalt  }
0x64: {  	_ =	shalt  }
0x65: {  	_ =	shalt  }
0x66: {  	_ =	shalt  }
0x67: {  	_ =	shalt  }
0x68: {  	_ =	shalt  }
0x69: {  	_ =	shalt  }
0x6a: {  	_ =	shalt  }
0x6b: {  	_ =	shalt  }
0x6c: {  	_ =	shalt  }
0x6d: {  	_ =	shalt  }
0x6e: {  	_ =	shalt  }
0x6f: {  	_ =	shalt  }
0x70: {  	_ =	shalt  }
0x71: {  	_ =	shalt  }
0x72: {  	_ =	shalt  }
0x73: {  	_ =	shalt  }
0x74: {  	_ =	shalt  }
0x75: {  	_ =	shalt  }
0x76: {  	_ =	shalt  }
0x77: {  	_ =	shalt  }
0x78: {  	_ =	shalt  }
0x79: {  	_ =	shalt  }
0x7a: {  	_ =	shalt  }
0x7b: {  	_ =	shalt  }
0x7c: {  	_ =	shalt  }
0x7d: {  	_ =	shalt  }
0x7e: {  	_ =	shalt  }
0x7f: {  	_ =	shalt  }
0x80: {  	_ =	shalt  }
0x81: {  	_ =	shalt  }
0x82: {  	_ =	shalt  }
0x83: {  	_ =	shalt  }
0x84: {  	_ =	shalt  }
0x85: {  	_ =	shalt  }
0x86: {  	_ =	shalt  }
0x87: {  	_ =	shalt  }
.Lfunc_end0:
.L_simem_size_0:
called_computation_lowered:
.L_overlay_start_0:
0x88: {  	s2 =	sld [smem:$0x3FD9]  }
0x89: {  	s3 =	sld [smem:$0x3FFE];
	_ =	sdelay $0x1  }
0x8a: {  	s1 =	srdreg.scid  }
0x8b: {  	s0 =	sand.u32 $0x1, s1  }
0x8c: {  	s18 =	sshll.u32 s0, $0xA;
	s2 =	sadd.s32 s3, s2  }
0x8d: {  	s2 =	sadd.s32 s2, s18  }
0x8e: {  	[smem:$0x3FC5] =	sst s2  }
0x8f: {  	_ = 	snop  }
0x90: {  	s2 =	sld [smem:$0x3FC9]  }
0x91: {  	s19 =	sld [smem:$0x3FC8]  }
0x92: {  	s4 =	sld [smem:$0x3FC7]  }
0x93: {  	s5 =	sld [smem:$0x3FD0];
	(tm) =	ssettm $0x1  }
0x94: {  	s6 =	sld [smem:$0x3FFB];
	_ =	sdelay $0x3  }
0x95: {  	_ =	strace s6  }
0x96: {  	s6 =	sld [smem:$0x3FFC];
	_ =	sdelay $0x3  }
0x97: {  	_ =	strace s6  }
0x98: {  	s6 =	sld [smem:$0x3FFD];
	_ =	sdelay $0x3  }
0x99: {  	_ =	strace s6  }
0x9a: {  	_ =	strace $0x8FFFFFFF  }
0x9b: {  	s20 =	sld [smem:$0x3FDB];
	_ =	sdelay $0x1  }
0x9c: {  	s7 =	simm.s32 $_scs_section_size  }
0x9d: {  	s8 =	simm.s32 $_size__tile_overlayer_lowered;
	s9 =	simm.s32 $_tile_overlayer_lowered  }
0x9e: {  	s23 =	simm.s32 $0x1BFF;
	s22 =	sshll.u32 s9, $0x1;
	s6 =	sadd.s32 s7, s20  }
0x9f: {  	s10 =	simm.s32 $0x0;
	s21 =	sshll.u32 s8, $0x1;
	s8 =	sadd.s32 s22, s6  }
0xa0: {  	[timem:s10], [sflag:s23] =	dma.local [hbm:s8], s21  }
0xa1: {  	_ =	swait.ge [sflag:s23], s21  }
0xa2: {  	s7 =	ssub.s32 $0x0, s21;
	[sflag:s23] =	ssyncset.done $0x0  }
0xa3: {  	[sflag:s23] =	ssyncadd.s32 s7;
	_ =	sdelay $0x1  }
0xa4: {  	s24 =	simm.s32 $0x1B8B  }
0xa5: {  	_ =	swait.ge [sflag:s24], $0x1  }
0xa6: {  	[sflag:s24] =	ssyncset.done $0x0  }
0xa7: {  	s25 =	simm.s32 $0x1B8E;
	[sflag:s24] =	ssyncadd.s32 $0xFFFFFFFF  }
0xa8: {  	s26 =	simm.s32 $execute0_lowered;
	[smem:$0x3FD2] =	sst s25  }
0xa9: {  	s7 =	sshll.u32 s26, $0x1;
	_ =	strace $0x80000046;
	[dreg:$0x1] =	wrdreg $0xFFFFFFFF  }
0xaa: {  	s28 =	simm.s32 $_size_execute0_lowered;
	s6 =	sadd.s32 s6, s7;
	[dreg:$0x0] =	wrdreg $0x0  }
0xab: {  	s7 =	sshll.u32 s28, $0x1;
	[dreg:$0x2] =	wrdreg s6  }
0xac: {  	[dreg:$0x3] =	wrdreg s7  }
0xad: {  	[dreg:$0x4] =	wrdreg $0xC0  }
0xae: {  	_ =	task [dreg:s10], $0x5FFFF  }
0xaf: {  	[dreg:$0x1] =	wrdreg $0xFFFFFFFF  }
0xb0: {  	[dreg:$0x0] =	wrdreg $0x60  }
0xb1: {  	[dreg:$0x2] =	wrdreg s2  }
0xb2: {  	[dreg:$0x3] =	wrdreg s19  }
0xb3: {  	[dreg:$0x4] =	wrdreg s4  }
0xb4: {  	[dreg:$0x5] =	wrdreg s5  }
0xb5: {  	[dreg:$0x6] =	wrdreg $0x9  }
0xb6: {  	_ =	task.clear_ibuf [dreg:s10], $0x7FFFF;
	_ =	strace $0x90000046  }
0xb7: {  	s29 =	simm.s32 $0x9;
	_ =	strace $0x80000048  }
0xb8: {  	_ =	swait.ge [sflag:s29], $0x1  }
0xb9: {  	[sflag:s29] =	ssyncadd.s32 $0xFFFFFFFF  }
0xba: {  	_ =	strace $0x90000048  }
0xbb: {  	_ =	sfence  }
0xbc: {  	s30 =	sld [smem:$0x0];
	_ =	sdelay $0x2  }
0xbd: {  	s31 =	sshll.u32 s1, $0xD;
	s1 =	sshrl.u32 s1, $0x2  }
0xbe: {  	s3 =	sand.u32 $0x4000, s31;
	s1 =	sadd.s32 s1, s30  }
0xbf: {  	s0 =	sor.u32 s3, s0;
	s1 =	sshll.u32 s1, $0x11  }
0xc0: {  	s0 =	sor.u32 s1, s0  }
0xc1: {  	s0 =	sadd.s32 $0x8F2B, s0  }
0xc2: {  	[sflag:s0] =	ssyncadd.remote.s32 $0x1  }
0xc3: {  	_ =	sfence.sel $0xFFFF  }
0xc4: {  	[dreg:$0x0] =	wrdreg $0xFFFFFFFF;
	(pc) =	sbr.abs _section_cstart, $3  }
0xc5: {  	[dreg:$0x1] =	wrdreg $0xFFFFFFFF  }
0xc6: {  	_ =	task.clear_ibuf [dreg:s10], $0x2FFFF;
	_ =	strace $0x9FFFFFFF  }
0xc7: {  	(tm) =	ssettm $0x7FFFFFFF  }
tec
execute0_lowered:
.L_overlay_start_1:
0x0: {  	(tag) =	ssettag $0x1  }
0x1: {  	s1 =	rddreg [dreg:$0x2]  }
0x2: {  	s0 =	srdreg.scid;
	s5 =	stileid.u32  }
0x3: {  	s12 =	rddreg [dreg:$0x3];
	s6 =	simm.s32 $0x0;
	s28 =	simm.s32 $0x100  }
0x4: {  	s23 =	simm.s32 $0x8280;
	s19 =	simm.s32 $0x2;
	s0 =	sand.u32 $0x1, s0  }
0x5: {  	s3 =	sshll.u32 s5, $0x1;
	[smem:$0x7FF] =	sst s6;
	s10 =	smul.u32 $0x1800, s5  }
0x6: {  	p0 =	slt.u32 s5, $0x7;
	s29 =	smul.u32 $0x18000, s5;
	s5 =	simm.s32 $0x180  }
0x7: {  	s6 =	simm.s32 $0x1;
	s3 =	sor.u32 s0, s3;
	s24 =	smul.u32 $0xC00, s0  }
0x8: {  	s7 =	ssub.s32 $0x2, s0;
	_ =	strace $0x80000047;
	s0 =	smul.u32 $0xC000, s0  }
0x9: {  	s8 =	smul.u32 $0x18, s3;
	s9 =	sshrl.u32 s7, $0x1;
	s3 =	smin.u32 s3, $0xE  }
0xa: {  	s9 =	ssub.s32 s7, s9;
	s7 =	simm.s32 $0x19;
	s30 =	sshll.u32 s3, $0x7  }
0xb: {  	s0 =	sadd.s32 s0, s29;
	s8 =	sadd.s32 s3, s8;
	s7 =	simm.s32 @!p0 $0x18  }
0xc: {  	s3 =	sshll.u32 s3, $0xB;
	s31 =	smax.u32 s9, $0x1;
	[dreg:$0xc] =	wrdreg s0  }
0xd: {  	s8 =	sshll.u32 s8, $0x4;
	[dreg:$0xb] =	wrdreg s31;
	s3 =	sadd.s32 s3, s12  }
0xe: {  	s9 =	simm.s32 $0x280;
	s11 =	sadd.s32 s1, s8;
	[dreg:$0x5] =	wrdreg s3  }
0xf: {  	s8 =	sadd.s32 s24, s10;
	s13 =	sadd.s32 $0x10, s11;
	[dreg:$0x6] =	wrdreg s11  }
0x10: {  	s10 =	simm.s32 $0x4280;
	s25 =	sadd.s32 $0x20, s11;
	[dreg:$0x7] =	wrdreg s13  }
0x11: {  	s3 =	simm.s32 $0x3;
	s26 =	sadd.s32 $0x30, s11;
	[dreg:$0x8] =	wrdreg s25  }
0x12: {  	s11 =	sadd.s32 $0x40, s11;
	s14 =	sadd.s32 s30, s8;
	[dreg:$0x9] =	wrdreg s26  }
0x13: {  	s8 =	simm.s32 $0x0;
	[dreg:$0xa] =	wrdreg s11;
	s25 =	simm.s32 $0x80  }
.LBB2_1:
0x14: {  	[dreg:$0xd] =	wrdreg s8  }
0x15: {  	s0 =	rddreg [dreg:$0x6];
	s26 =	simm.s32 $0x0  }
0x16: {  	[tilespmem:s26], [sflag:$0xB] =	stream.linear.gather [hbm4b:s0+s26], $0x80, $0x38;
	[tilespmem:$0x14280] =	vst v63  }
0x17: {  	s12 =	rddreg [dreg:$0x7]  }
0x18: {  	[tilespmem:s25], [sflag:$0xC] =	stream.linear.gather [hbm4b:s12+s26], $0x80, $0x38;
	[tilespmem:$0x14280] =	vst v63  }
0x19: {  	s13 =	rddreg [dreg:$0x8]  }
0x1a: {  	[tilespmem:s28], [sflag:$0xD] =	stream.linear.gather [hbm4b:s13+s26], $0x80, $0x38;
	[tilespmem:$0x14280] =	vst v63  }
0x1b: {  	s15 =	rddreg [dreg:$0x9]  }
0x1c: {  	[tilespmem:s5], [sflag:$0xE] =	stream.linear.gather [hbm4b:s15+s26], $0x80, $0x38;
	[tilespmem:$0x14280] =	vst v63  }
0x1d: {  	s16 =	rddreg [dreg:$0xa];
	s17 =	simm.s32 $0x200;
	s18 =	simm.s32 $0xB  }
0x1e: {  	[tilespmem:s17], [sflag:$0xF] =	stream.linear.gather [hbm4b:s16+s26], $0x80, $0x38;
	[tilespmem:$0x14280] =	vst v63  }
0x1f: {  	_ =	swait.ge [sflag:s18], $0x80  }
0x20: {  	[sflag:s18] =	ssyncset.done $0x0  }
0x21: {  	[sflag:s18] =	ssyncadd.s32 $0xFFFFFF80  }
0x22: {  	s20 =	simm.s32 $0xC;
	s1 =	rddreg [dreg:$0x0]  }
0x23: {  	[tilespmem:s9], [sflag:$0x1] =	stream.indirect.gather [hbm4b:s1+s25], $0x80, s26, s25, $0xb8;
	[tilespmem:$0x14280] =	vst v63  }
0x24: {  	_ =	swait.ge [sflag:s20], $0x80  }
0x25: {  	[sflag:s20] =	ssyncset.done $0x0  }
0x26: {  	s21 =	simm.s32 $0xD;
	[sflag:s20] =	ssyncadd.s32 $0xFFFFFF80  }
0x27: {  	[tilespmem:s10], [sflag:$0x2] =	stream.indirect.gather [hbm4b:s1+s25], $0x80, s25, s25, $0xb8;
	[tilespmem:$0x14280] =	vst v63  }
0x28: {  	_ =	swait.ge [sflag:s21], $0x80  }
0x29: {  	[sflag:s21] =	ssyncset.done $0x0  }
0x2a: {  	s22 =	simm.s32 $0xE;
	[sflag:s21] =	ssyncadd.s32 $0xFFFFFF80  }
0x2b: {  	[tilespmem:s23], [sflag:$0x3] =	stream.indirect.gather [hbm4b:s1+s25], $0x80, s28, s25, $0xb8;
	[tilespmem:$0x14280] =	vst v63  }
0x2c: {  	_ =	swait.ge [sflag:s22], $0x80  }
0x2d: {  	[sflag:s22] =	ssyncset.done $0x0  }
0x2e: {  	s13 =	simm.s32 $0xC280;
	[sflag:s22] =	ssyncadd.s32 $0xFFFFFF80  }
0x2f: {  	[tilespmem:s13], [sflag:$0x4] =	stream.indirect.gather [hbm4b:s1+s25], $0x80, s5, s25, $0xb8;
	[tilespmem:$0x14280] =	vst v63  }
0x30: {  	_ =	swait.ge [sflag:s6], $0x4000  }
0x31: {  	[sflag:s6] =	ssyncset.done $0x0  }
0x32: {  	[sflag:s6] =	ssyncadd.s32 $0xFFFFC000  }
0x33: {  	s2 =	rddreg [dreg:$0x1]  }
0x34: {  	[tilespmem:s9], [sflag:$0x1] =	stream.indirect.gather.add.f32 [hbm:s2], $0x80, s26, s25, $0xb8;
	[tilespmem:$0x14280] =	vst v63  }
0x35: {  	_ =	swait.ge [sflag:s19], $0x4000  }
0x36: {  	[sflag:s19] =	ssyncset.done $0x0  }
0x37: {  	[sflag:s19] =	ssyncadd.s32 $0xFFFFC000  }
0x38: {  	[tilespmem:s10], [sflag:$0x2] =	stream.indirect.gather.add.f32 [hbm:s2], $0x80, s25, s25, $0xb8;
	[tilespmem:$0x14280] =	vst v63  }
0x39: {  	_ =	swait.ge [sflag:s6], $0x4000  }
0x3a: {  	s24 =	rddreg [dreg:$0x5]  }
0x3b: {  	[sflag:s6] =	ssyncset.done $0x0;
	s16 =	rddreg [dreg:$0xc]  }
0x3c: {  	p0 =	sle.u32 s7, $0x4;
	[sflag:s6] =	ssyncadd.s32 $0xFFFFC000;
	s11 =	sadd.s32 s16, s24  }
0x3d: {  	[hbm4b:s11+s26] =	stream.linear.scatter [tilespmem:s9], [sflag:$0x6], $0x4000, $0x38;
	[tilespmem:$0x14280] =	vst v63  }
0x3e: {  	p1 =	sle.u32 s7, $0x5;
	p2 =	por @!p0 $0x1, $0x1;
	_ =	swait.ge [sflag:s3], $0x4000  }
0x3f: {  	s8 =	sadd.s32 @!p1 $0x0, s14;
	p4 =	por p2, p0;
	[sflag:s3] =	ssyncset.done $0x0  }
0x40: {  	s0 =	sadd.s32 @!p1 $0x280, s8;
	s8 =	simm.s32 @!p4 $0xA;
	[sflag:s3] =	ssyncadd.s32 $0xFFFFC000  }
0x41: {  	[tilespmem:s23], [sflag:$0x3] =	stream.indirect.gather.add.f32 [hbm:s2], $0x80, s28, s25, $0xb8;
	[tilespmem:$0x14280] =	vst v63  }
0x42: {  	p5 =	sle.u32 s7, $0x7;
	p3 =	slt.s32 @!p1 s0, $0x18620;
	_ =	swait.ge @!p4 [sflag:s8], $0x4000  }
0x43: {  	p1 =	por p1, p1;
	s12 =	simm.s32 @!p0 $0x80;
	[sflag:s8] =	ssyncset.done @!p4 $0x0  }
0x44: {  	p3 =	por !p3, p1;
	s9 =	simm.s32 @!p0 $0xF;
	[sflag:s8] =	ssyncadd.s32 @!p4 $0xFFFFC000  }
0x45: {  	s0 =	simm.s32 @p3 $0x18620;
	p3 =	sle.u32 s7, $0x6;
	_ =	swait.ge @!p0 [sflag:s9], $0x80  }
0x46: {  	s15 =	simm.s32 @!p0 $0x200;
	s8 =	sadd.s32 @!p3 $0x0, s14;
	[sflag:s9] =	ssyncset.done @!p0 $0x0  }
0x47: {  	s17 =	sadd.s32 @!p3 $0x300, s8;
	s8 =	simm.s32 @!p0 $0x10280;
	[sflag:s9] =	ssyncadd.s32 @!p0 $0xFFFFFF80  }
0x48: {  	[tilespmem:s8], [sflag:$0x5] =	stream.indirect.gather @!p0 [hbm4b:s1+s12], $0x80, s15, s12, $0xb8;
	[tilespmem:$0x14280] =	vst v63  }
0x49: {  	s29 =	simm.s32 $0x4;
	s0 =	sshrl.u32 @!p1 s0, $0x3;
	s4 =	rddreg [dreg:$0x2]  }
0x4a: {  	s20 =	sadd.s32 $0x0, s14;
	s9 =	sadd.s32 @!p1 s4, s0;
	s0 =	simm.s32 @!p1 $0x0  }
0x4b: {  	[tilespmem:s0], [sflag:$0xB] =	stream.linear.gather @!p1 [hbm4b:s9+s0], $0x80, $0x38;
	[tilespmem:$0x14280] =	vst v63  }
0x4c: {  	p2 =	sle.u32 s7, $0x9;
	s21 =	sadd.s32 $0x180, s20;
	_ =	swait.ge [sflag:s19], $0x4000  }
0x4d: {  	s28 =	sadd.s32 $0x800, s11;
	p4 =	slt.s32 @!p3 s17, $0x18620;
	[sflag:s19] =	ssyncset.done $0x0  }
0x4e: {  	p4 =	por !p4, p3;
	s9 =	sadd.s32 @!p0 $0x0, s14;
	[sflag:s19] =	ssyncadd.s32 $0xFFFFC000  }
0x4f: {  	[hbm4b:s28+s26] =	stream.linear.scatter [tilespmem:s10], [sflag:$0x7], $0x4000, $0x38;
	[tilespmem:$0x14280] =	vst v63  }
0x50: {  	s17 =	simm.s32 @p4 $0x18620;
	s18 =	sadd.s32 @!p0 $0x200, s9;
	_ =	swait.ge [sflag:s29], $0x4000  }
0x51: {  	s9 =	sadd.s32 @!p5 $0x0, s14;
	p4 =	slt.s32 @!p0 s18, $0x18620;
	[sflag:s29] =	ssyncset.done $0x0  }
0x52: {  	s19 =	sadd.s32 @!p5 $0x380, s9;
	s9 =	simm.s32 @!p1 $0x6;
	[sflag:s29] =	ssyncadd.s32 $0xFFFFC000  }
0x53: {  	[tilespmem:s13], [sflag:$0x4] =	stream.indirect.gather.add.f32 [hbm:s2], $0x80, s5, s25, $0xb8;
	[tilespmem:$0x14280] =	vst v63  }
0x54: {  	s24 =	simm.s32 @!p1 $0x80;
	p4 =	por !p4, p0;
	_ =	swait.ge @!p1 [sflag:s9], $0x4000  }
0x55: {  	p6 =	slt.s32 @!p5 s19, $0x18620;
	s18 =	simm.s32 @p4 $0x18620;
	[sflag:s9] =	ssyncset.done @!p1 $0x0  }
0x56: {  	s10 =	simm.s32 @!p1 $0x280;
	s13 =	simm.s32 @!p1 $0xB;
	[sflag:s9] =	ssyncadd.s32 @!p1 $0xFFFFC000  }
0x57: {  	p4 =	por !p6, p5;
	p6 =	sle.u32 s7, $0x8;
	_ =	swait.ge @!p1 [sflag:s13], $0x80  }
0x58: {  	s19 =	simm.s32 @p4 $0x18620;
	s9 =	sadd.s32 @!p6 $0x0, s14;
	[sflag:s13] =	ssyncset.done @!p1 $0x0  }
0x59: {  	p4 =	slt.s32 s21, $0x18620;
	s22 =	sadd.s32 @!p6 $0x400, s9;
	[sflag:s13] =	ssyncadd.s32 @!p1 $0xFFFFFF80  }
0x5a: {  	[tilespmem:s10], [sflag:$0x1] =	stream.indirect.gather @!p1 [hbm4b:s1+s24], $0x80, s0, s24, $0xb8;
	[tilespmem:$0x14280] =	vst v63  }
0x5b: {  	s21 =	simm.s32 @!p4 $0x18620;
	p4 =	slt.s32 @!p6 s22, $0x18620;
	s1 =	simm.s32 @!p2 $0x0  }
0x5c: {  	p4 =	por !p4, p6;
	s1 =	simm.s32 @p2 $0x1  }
0x5d: {  	s9 =	sadd.s32 @!p2 $0x0, s14;
	[smem:$0x7FC] =	sst s1;
	s1 =	simm.s32 @!p4 $0x0  }
0x5e: {  	s13 =	sadd.s32 @!p2 $0x480, s9;
	s9 =	sshrl.u32 @!p3 s17, $0x3;
	s1 =	simm.s32 @p4 $0x1  }
0x5f: {  	s17 =	sadd.s32 @!p3 s4, s9;
	p4 =	por p3, p3;
	[smem:$0x7FA] =	sst s1  }
0x60: {  	s9 =	simm.s32 @!p4 $0x80;
	s20 =	simm.s32 @!p4 $0x0;
	s1 =	sld [smem:$0x7FA]  }
0x61: {  	[tilespmem:s9], [sflag:$0xC] =	stream.linear.gather @!p4 [hbm4b:s17+s20], $0x80, $0x38;
	[tilespmem:$0x14280] =	vst v63  }
0x62: {  	s31 =	sadd.s32 $0x1000, s11;
	_ =	swait.ge [sflag:s3], $0x4000  }
0x63: {  	s30 =	sld [smem:$0x7FC];
	[sflag:s3] =	ssyncset.done $0x0;
	p3 =	seq.s32 s1, $0x1  }
0x64: {  	[sflag:s3] =	ssyncadd.s32 $0xFFFFC000;
	s22 =	simm.s32 @p3 $0x18620;
	p3 =	slt.s32 @!p2 s13, $0x18620  }
0x65: {  	[hbm4b:s31+s26] =	stream.linear.scatter [tilespmem:s23], [sflag:$0x8], $0x4000, $0x38;
	[tilespmem:$0x14280] =	vst v63  }
0x66: {  	p3 =	por !p3, p2  }
0x67: {  	p2 =	por p3, p3  }
0x68: {  	p3 =	seq.s32 s30, $0x1;
	s1 =	simm.s32 @!p2 $0x0  }
0x69: {  	s1 =	simm.s32 @p2 $0x1;
	p2 =	por p3, p3  }
0x6a: {  	s11 =	simm.s32 @!p0 $0x5;
	[smem:$0x7FB] =	sst s1;
	s1 =	simm.s32 @!p2 $0x0  }
0x6b: {  	s20 =	simm.s32 $0x280;
	s17 =	sshll.u32 @!p0 s18, $0x4;
	s1 =	simm.s32 @p2 $0x1  }
0x6c: {  	s18 =	sshrl.u32 @!p5 s19, $0x3;
	s19 =	simm.s32 @!p4 $0x7;
	[smem:$0x7FD] =	sst s1  }
0x6d: {  	s3 =	simm.s32 $0x3;
	s23 =	sshll.u32 s21, $0x4;
	_ =	swait.ge @!p0 [sflag:s11], $0x4000  }
0x6e: {  	s21 =	simm.s32 @!p4 $0xC;
	s5 =	rddreg [dreg:$0x3];
	[sflag:s11] =	ssyncset.done @!p0 $0x0  }
0x6f: {  	s26 =	sadd.s32 @!p0 s5, s17;
	s17 =	sadd.s32 @!p5 s4, s18;
	[sflag:s11] =	ssyncadd.s32 @!p0 $0xFFFFC000  }
0x70: {  	[tilespmem:s8], [sflag:$0x5] =	stream.indirect.gather.add.f32 @!p0 [hbm:s2], $0x80, s15, s12, $0xb8;
	[tilespmem:$0x14280] =	vst v63  }
0x71: {  	s18 =	sshrl.u32 @!p6 s22, $0x3;
	s22 =	simm.s32 $0x9;
	_ =	swait.ge @!p4 [sflag:s19], $0x4000  }
0x72: {  	s12 =	sadd.s32 @!p6 s4, s18;
	s15 =	smov.u32 s16;
	[sflag:s19] =	ssyncset.done @!p4 $0x0  }
.LBB2_2:
0x73: {  	[sflag:s19] =	ssyncadd.s32 @!p4 $0xFFFFC000;
	s19 =	smov.u32 s20;
	s20 =	sadd.s32 $0x280, s20  }
0x74: {  	p2 =	sne.s32 s20, $0xC80  }
0x75: {  	s1 =	simm.s32 @!p2 $0x0  }
0x76: {  	s1 =	simm.s32 @p2 $0x1  }
0x77: {  	[smem:$0x7F9] =	sst s1  }
0x78: {  	_ =	swait.ge @!p4 [sflag:s21], $0x80  }
0x79: {  	s18 =	simm.s32 @!p4 $0x4280;
	[sflag:s21] =	ssyncset.done @!p4 $0x0  }
0x7a: {  	s16 =	simm.s32 @!p5 $0x100;
	s22 =	sadd.s32 $0x5, s22;
	[sflag:s21] =	ssyncadd.s32 @!p4 $0xFFFFFF80  }
0x7b: {  	s29 =	simm.s32 $0x4;
	p3 =	sge.u32 s22, s7;
	s2 =	rddreg [dreg:$0x0]  }
0x7c: {  	[tilespmem:s18], [sflag:$0x2] =	stream.indirect.gather @!p4 [hbm4b:s2+s9], $0x80, s9, s9, $0xb8;
	[tilespmem:$0x14280] =	vst v63  }
0x7d: {  	s30 =	simm.s32 $0xC280;
	s1 =	simm.s32 @!p3 $0x0;
	s21 =	simm.s32 @!p5 $0x0  }
0x7e: {  	[tilespmem:s16], [sflag:$0xD] =	stream.linear.gather @!p5 [hbm4b:s17+s21], $0x80, $0x38;
	[tilespmem:$0x14280] =	vst v63  }
0x7f: {  	s6 =	simm.s32 $0x0;
	s1 =	simm.s32 @p3 $0x1;
	_ =	swait.ge [sflag:s29], $0x4000  }
0x80: {  	s21 =	simm.s32 @!p1 $0x1;
	s28 =	rddreg [dreg:$0x3];
	[sflag:s29] =	ssyncset.done $0x0  }
0x81: {  	[smem:$0x7F7] =	sst s1;
	s31 =	sadd.s32 s28, s23;
	[sflag:s29] =	ssyncadd.s32 $0xFFFFC000  }
0x82: {  	[hbm4b:s31+s6] =	stream.linear.scatter [tilespmem:s30], [sflag:$0x9], $0x4000, $0x38;
	[tilespmem:$0x14280] =	vst v63  }
0x83: {  	_ =	swait.ge @!p1 [sflag:s21], $0x4000  }
0x84: {  	[sflag:s21] =	ssyncset.done @!p1 $0x0  }
0x85: {  	s4 =	sadd.s32 $0xFFFFFFFC, s22;
	s17 =	sadd.s32 @!p3 s19, s14;
	[sflag:s21] =	ssyncadd.s32 @!p1 $0xFFFFC000  }
0x86: {  	p2 =	sge.u32 s4, s7;
	s17 =	sadd.s32 @!p3 $0x480, s17;
	s4 =	rddreg [dreg:$0x1]  }
0x87: {  	[tilespmem:s10], [sflag:$0x1] =	stream.indirect.gather.add.f32 @!p1 [hbm:s4], $0x80, s0, s24, $0xb8;
	[tilespmem:$0x14280] =	vst v63  }
0x88: {  	p1 =	slt.s32 @!p3 s17, $0x18620  }
0x89: {  	s23 =	simm.s32 @!p5 $0x8;
	p1 =	por !p1, p3  }
0x8a: {  	s5 =	simm.s32 @!p5 $0xD;
	_ =	swait.ge @!p5 [sflag:s23], $0x4000;
	s0 =	simm.s32 @!p1 $0x0  }
0x8b: {  	s25 =	sadd.s32 @!p2 s19, s14;
	[sflag:s23] =	ssyncset.done @!p5 $0x0;
	s0 =	simm.s32 @p1 $0x1  }
0x8c: {  	s21 =	simm.s32 @!p5 $0x8280;
	[sflag:s23] =	ssyncadd.s32 @!p5 $0xFFFFC000;
	[smem:$0x7F6] =	sst s0  }
0x8d: {  	s10 =	sadd.s32 @!p2 $0x280, s25;
	p3 =	por p2, p2;
	_ =	swait.ge @!p5 [sflag:s5], $0x80  }
0x8e: {  	p1 =	slt.s32 @!p2 s10, $0x18620;
	s23 =	simm.s32 @!p5 $0x80;
	[sflag:s5] =	ssyncset.done @!p5 $0x0  }
0x8f: {  	p1 =	por !p1, p3;
	[sflag:s5] =	ssyncadd.s32 @!p5 $0xFFFFFF80;
	s5 =	sld [smem:$0x7FD]  }
0x90: {  	[tilespmem:s21], [sflag:$0x3] =	stream.indirect.gather @!p5 [hbm4b:s2+s23], $0x80, s16, s23, $0xb8;
	[tilespmem:$0x14280] =	vst v63  }
0x91: {  	s10 =	simm.s32 @p1 $0x18620;
	s16 =	simm.s32 @!p6 $0x180  }
0x92: {  	p2 =	seq.s32 s5, $0x1;
	s5 =	sshrl.u32 @!p3 s10, $0x3;
	s10 =	simm.s32 @!p6 $0x0  }
0x93: {  	[tilespmem:s16], [sflag:$0xE] =	stream.linear.gather @!p6 [hbm4b:s12+s10], $0x80, $0x38;
	[tilespmem:$0x14280] =	vst v63  }
0x94: {  	s31 =	rddreg [dreg:$0x2];
	_ =	swait.ge @!p0 [sflag:s11], $0x4000  }
0x95: {  	s10 =	sadd.s32 @!p3 s31, s5;
	s5 =	simm.s32 @!p4 $0x2;
	[sflag:s11] =	ssyncset.done @!p0 $0x0  }
0x96: {  	s12 =	simm.s32 @!p0 $0x0;
	s21 =	sld [smem:$0x7FB];
	[sflag:s11] =	ssyncadd.s32 @!p0 $0xFFFFC000  }
0x97: {  	[hbm4b:s26+s12] =	stream.linear.scatter @!p0 [tilespmem:s8], [sflag:$0xA], $0x4000, $0x38;
	[tilespmem:$0x14280] =	vst v63  }
0x98: {  	s23 =	sadd.s32 $0xFFFFFFFD, s22;
	_ =	swait.ge @!p4 [sflag:s5], $0x4000  }
0x99: {  	s24 =	sadd.s32 $0xFFFFFFFB, s22;
	p5 =	sge.u32 s23, s7;
	[sflag:s5] =	ssyncset.done @!p4 $0x0  }
0x9a: {  	p0 =	sge.u32 s24, s7;
	p1 =	seq.s32 s21, $0x1;
	[sflag:s5] =	ssyncadd.s32 @!p4 $0xFFFFC000  }
0x9b: {  	[tilespmem:s18], [sflag:$0x2] =	stream.indirect.gather.add.f32 @!p4 [hbm:s4], $0x80, s9, s9, $0xb8;
	[tilespmem:$0x14280] =	vst v63  }
0x9c: {  	s8 =	simm.s32 @!p6 $0x9;
	s13 =	simm.s32 @p1 $0x18620;
	p4 =	seq.s32 @!p0 s19, $0x0  }
0x9d: {  	s11 =	sshrl.u32 @!p2 s13, $0x3;
	_ =	swait.ge @!p6 [sflag:s8], $0x4000;
	s1 =	simm.s32 @!p4 $0x0  }
0x9e: {  	s13 =	sadd.s32 @!p5 s19, s14;
	[sflag:s8] =	ssyncset.done @!p6 $0x0;
	s1 =	simm.s32 @p4 $0x1  }
0x9f: {  	s9 =	simm.s32 @!p6 $0xE;
	[smem:$0x7F8] =	sst s1;
	[sflag:s8] =	ssyncadd.s32 @!p6 $0xFFFFC000  }
0xa0: {  	s0 =	simm.s32 @!p2 $0x200;
	s5 =	sadd.s32 @!p5 $0x300, s13;
	_ =	swait.ge @!p6 [sflag:s9], $0x80  }
0xa1: {  	s13 =	simm.s32 @!p6 $0x80;
	[sflag:s9] =	ssyncset.done @!p6 $0x0;
	s26 =	sld [smem:$0x7F6]  }
0xa2: {  	p1 =	slt.s32 @!p5 s5, $0x18620;
	s8 =	simm.s32 @!p6 $0xC280;
	[sflag:s9] =	ssyncadd.s32 @!p6 $0xFFFFFF80  }
0xa3: {  	[tilespmem:s8], [sflag:$0x4] =	stream.indirect.gather @!p6 [hbm4b:s2+s13], $0x80, s16, s13, $0xb8;
	[tilespmem:$0x14280] =	vst v63  }
0xa4: {  	s21 =	simm.s32 @!p2 $0x0;
	p1 =	por !p1, p5;
	p6 =	seq.s32 s26, $0x1  }
0xa5: {  	s12 =	sadd.s32 @!p2 s31, s11;
	s5 =	simm.s32 @p1 $0x18620;
	p1 =	por p6, p6  }
0xa6: {  	[tilespmem:s0], [sflag:$0xF] =	stream.linear.gather @!p2 [hbm4b:s12+s21], $0x80, $0x38;
	[tilespmem:$0x14280] =	vst v63  }
0xa7: {  	s1 =	simm.s32 @!p1 $0x0  }
0xa8: {  	s1 =	simm.s32 @p1 $0x1  }
0xa9: {  	s8 =	simm.s32 $0x1;
	[smem:$0x7FB] =	sst s1  }
0xaa: {  	_ =	swait.ge [sflag:s8], $0x4000  }
0xab: {  	s5 =	sshrl.u32 @!p5 s5, $0x3;
	s12 =	sld [smem:$0x7F7]  }
0xac: {  	s11 =	sadd.s32 @!p5 s31, s5;
	s5 =	sadd.s32 @!p0 s19, s14  }
0xad: {  	s15 =	sadd.s32 $0x2800, s15;
	s5 =	sadd.s32 @!p0 $0x200, s5;
	s21 =	simm.s32 $0x280  }
0xae: {  	s16 =	rddreg [dreg:$0x5];
	[sflag:s8] =	ssyncset.done $0x0;
	p6 =	seq.s32 s12, $0x1  }
0xaf: {  	[sflag:s8] =	ssyncadd.s32 $0xFFFFC000;
	s12 =	sadd.s32 s15, s16;
	p2 =	por p6, p6  }
0xb0: {  	[hbm4b:s12+s6] =	stream.linear.scatter [tilespmem:s21], [sflag:$0x6], $0x4000, $0x38;
	[tilespmem:$0x14280] =	vst v63  }
0xb1: {  	p1 =	slt.s32 @!p0 s5, $0x18620;
	s18 =	sld [smem:$0x7F8];
	s0 =	simm.s32 @!p2 $0x0  }
0xb2: {  	s25 =	simm.s32 $0x80;
	p1 =	por !p1, p0;
	s0 =	simm.s32 @p2 $0x1  }
0xb3: {  	s1 =	simm.s32 $0x8280;
	s5 =	simm.s32 @p1 $0x18620;
	[smem:$0x7FD] =	sst s0  }
0xb4: {  	s5 =	sshll.u32 @!p0 s5, $0x4;
	p6 =	seq.s32 s18, $0x1;
	_ =	swait.ge [sflag:s3], $0x4000  }
0xb5: {  	s26 =	sadd.s32 @!p0 s28, s5;
	p2 =	por p6, p0;
	[sflag:s3] =	ssyncset.done $0x0  }
0xb6: {  	s28 =	simm.s32 $0x100;
	s0 =	simm.s32 @!p2 $0xA;
	[sflag:s3] =	ssyncadd.s32 $0xFFFFC000  }
0xb7: {  	[tilespmem:s1], [sflag:$0x3] =	stream.indirect.gather.add.f32 [hbm:s4], $0x80, s28, s25, $0xb8;
	[tilespmem:$0x14280] =	vst v63  }
0xb8: {  	_ =	swait.ge @!p2 [sflag:s0], $0x4000  }
0xb9: {  	s9 =	simm.s32 @!p0 $0xF;
	[sflag:s0] =	ssyncset.done @!p2 $0x0  }
0xba: {  	s13 =	smov.u32 s17;
	s17 =	sadd.s32 $0xFFFFFFFE, s22;
	[sflag:s0] =	ssyncadd.s32 @!p2 $0xFFFFC000  }
0xbb: {  	p4 =	por p5, p5;
	p5 =	sge.u32 s17, s7;
	_ =	swait.ge @!p0 [sflag:s9], $0x80  }
0xbc: {  	s5 =	sadd.s32 @!p5 s19, s14;
	s8 =	simm.s32 @!p0 $0x10280;
	[sflag:s9] =	ssyncset.done @!p0 $0x0  }
0xbd: {  	s18 =	simm.s32 @!p0 $0x80;
	s21 =	simm.s32 @!p0 $0x200;
	[sflag:s9] =	ssyncadd.s32 @!p0 $0xFFFFFF80  }
0xbe: {  	[tilespmem:s8], [sflag:$0x5] =	stream.indirect.gather @!p0 [hbm4b:s2+s18], $0x80, s21, s18, $0xb8;
	[tilespmem:$0x14280] =	vst v63  }
0xbf: {  	s23 =	simm.s32 $0x2;
	s5 =	sadd.s32 @!p5 $0x380, s5;
	s0 =	simm.s32 @!p3 $0x0  }
0xc0: {  	[tilespmem:s0], [sflag:$0xB] =	stream.linear.gather @!p3 [hbm4b:s10+s0], $0x80, $0x38;
	[tilespmem:$0x14280] =	vst v63  }
0xc1: {  	p1 =	slt.s32 @!p5 s5, $0x18620;
	_ =	swait.ge [sflag:s23], $0x4000  }
0xc2: {  	p1 =	por !p1, p5;
	[sflag:s23] =	ssyncset.done $0x0  }
0xc3: {  	s24 =	sadd.s32 $0x800, s12;
	s10 =	simm.s32 $0x4280;
	[sflag:s23] =	ssyncadd.s32 $0xFFFFC000  }
0xc4: {  	[hbm4b:s24+s6] =	stream.linear.scatter [tilespmem:s10], [sflag:$0x7], $0x4000, $0x38;
	[tilespmem:$0x14280] =	vst v63  }
0xc5: {  	s5 =	simm.s32 @p1 $0x18620;
	_ =	swait.ge [sflag:s29], $0x4000  }
0xc6: {  	s16 =	simm.s32 $0x180;
	s5 =	sshrl.u32 @!p5 s5, $0x3;
	[sflag:s29] =	ssyncset.done $0x0  }
0xc7: {  	s17 =	sadd.s32 @!p5 s31, s5;
	s5 =	simm.s32 @!p3 $0x6;
	[sflag:s29] =	ssyncadd.s32 $0xFFFFC000  }
0xc8: {  	[tilespmem:s30], [sflag:$0x4] =	stream.indirect.gather.add.f32 [hbm:s4], $0x80, s16, s25, $0xb8;
	[tilespmem:$0x14280] =	vst v63  }
0xc9: {  	_ =	swait.ge @!p3 [sflag:s5], $0x4000  }
0xca: {  	[sflag:s5] =	ssyncset.done @!p3 $0x0  }
0xcb: {  	s16 =	simm.s32 @!p3 $0xB;
	[sflag:s5] =	ssyncadd.s32 @!p3 $0xFFFFC000  }
0xcc: {  	s12 =	sadd.s32 $0x1000, s12;
	s9 =	simm.s32 @!p4 $0x80;
	_ =	swait.ge @!p3 [sflag:s16], $0x80  }
0xcd: {  	s10 =	simm.s32 @!p3 $0x280;
	s24 =	sadd.s32 s19, s14;
	[sflag:s16] =	ssyncset.done @!p3 $0x0  }
0xce: {  	s5 =	sadd.s32 $0x180, s24;
	s24 =	simm.s32 @!p3 $0x80;
	[sflag:s16] =	ssyncadd.s32 @!p3 $0xFFFFFF80  }
0xcf: {  	[tilespmem:s10], [sflag:$0x1] =	stream.indirect.gather @!p3 [hbm4b:s2+s24], $0x80, s0, s24, $0xb8;
	[tilespmem:$0x14280] =	vst v63  }
0xd0: {  	s23 =	sadd.s32 $0xFFFFFFFF, s22;
	p1 =	slt.s32 s5, $0x18620;
	s16 =	simm.s32 @!p4 $0x0  }
0xd1: {  	[tilespmem:s9], [sflag:$0xC] =	stream.linear.gather @!p4 [hbm4b:s11+s16], $0x80, $0x38;
	[tilespmem:$0x14280] =	vst v63  }
0xd2: {  	p6 =	sge.u32 s23, s7;
	s5 =	simm.s32 @!p1 $0x18620;
	_ =	swait.ge [sflag:s3], $0x4000  }
0xd3: {  	s19 =	sadd.s32 @!p6 s19, s14;
	s23 =	sshll.u32 s5, $0x4;
	[sflag:s3] =	ssyncset.done $0x0  }
0xd4: {  	s5 =	sadd.s32 @!p6 $0x400, s19;
	s11 =	simm.s32 @!p0 $0x5;
	[sflag:s3] =	ssyncadd.s32 $0xFFFFC000  }
0xd5: {  	[hbm4b:s12+s6] =	stream.linear.scatter [tilespmem:s1], [sflag:$0x8], $0x4000, $0x38;
	[tilespmem:$0x14280] =	vst v63  }
0xd6: {  	p1 =	slt.s32 @!p6 s5, $0x18620;
	_ =	swait.ge @!p0 [sflag:s11], $0x4000  }
0xd7: {  	p1 =	por !p1, p6;
	[sflag:s11] =	ssyncset.done @!p0 $0x0  }
0xd8: {  	s19 =	simm.s32 @!p4 $0x7;
	s5 =	simm.s32 @p1 $0x18620;
	[sflag:s11] =	ssyncadd.s32 @!p0 $0xFFFFC000  }
0xd9: {  	[tilespmem:s8], [sflag:$0x5] =	stream.indirect.gather.add.f32 @!p0 [hbm:s4], $0x80, s21, s18, $0xb8;
	[tilespmem:$0x14280] =	vst v63  }
0xda: {  	s5 =	sshrl.u32 @!p6 s5, $0x3;
	_ =	swait.ge @!p4 [sflag:s19], $0x4000  }
0xdb: {  	s12 =	sadd.s32 @!p6 s31, s5;
	s31 =	sld [smem:$0x7F9];
	_ =	sdelay $0x2  }
0xdc: {  	p2 =	seq.s32 s31, $0x1  }
.Ltmp0:
0xdd: {  	_ = 	snop;
	(pc) =	sbr.rel @p2 .LBB2_2-.Ltmp0, $3  }
0xde: {  	_ =	sdelay $0x1  }
0xdf: {  	s29 =	simm.s32 $0xC280;
	s30 =	simm.s32 $0x0  }
0xe0: {  	p1 =	por p3, p3;
	s21 =	simm.s32 @!p4 $0xC;
	[sflag:s19] =	ssyncset.done @!p4 $0x0  }
0xe1: {  	[sflag:s19] =	ssyncadd.s32 @!p4 $0xFFFFC000  }
0xe2: {  	_ =	swait.ge @!p4 [sflag:s21], $0x80  }
0xe3: {  	[sflag:s21] =	ssyncset.done @!p4 $0x0  }
0xe4: {  	[sflag:s21] =	ssyncadd.s32 @!p4 $0xFFFFFF80  }
0xe5: {  	s5 =	simm.s32 @!p4 $0x4280;
	s1 =	rddreg [dreg:$0x0]  }
0xe6: {  	[tilespmem:s5], [sflag:$0x2] =	stream.indirect.gather @!p4 [hbm4b:s1+s9], $0x80, s9, s9, $0xb8;
	[tilespmem:$0x14280] =	vst v63  }
0xe7: {  	s15 =	simm.s32 @!p5 $0x0;
	s16 =	simm.s32 @!p5 $0x100;
	s2 =	simm.s32 $0x4  }
0xe8: {  	[tilespmem:s16], [sflag:$0xD] =	stream.linear.gather @!p5 [hbm4b:s17+s15], $0x80, $0x38;
	[tilespmem:$0x14280] =	vst v63  }
0xe9: {  	_ =	swait.ge [sflag:s2], $0x4000  }
0xea: {  	[sflag:s2] =	ssyncset.done $0x0  }
0xeb: {  	s19 =	rddreg [dreg:$0x3]  }
0xec: {  	[sflag:s2] =	ssyncadd.s32 $0xFFFFC000;
	s15 =	sadd.s32 s19, s23  }
0xed: {  	[hbm4b:s15+s30] =	stream.linear.scatter [tilespmem:s29], [sflag:$0x9], $0x4000, $0x38;
	[tilespmem:$0x14280] =	vst v63  }
0xee: {  	s15 =	simm.s32 @!p1 $0x1  }
0xef: {  	_ =	swait.ge @!p1 [sflag:s15], $0x4000  }
0xf0: {  	[sflag:s15] =	ssyncset.done @!p1 $0x0  }
0xf1: {  	[sflag:s15] =	ssyncadd.s32 @!p1 $0xFFFFC000  }
0xf2: {  	s2 =	rddreg [dreg:$0x1]  }
0xf3: {  	[tilespmem:s10], [sflag:$0x1] =	stream.indirect.gather.add.f32 @!p1 [hbm:s2], $0x80, s0, s24, $0xb8;
	[tilespmem:$0x14280] =	vst v63  }
0xf4: {  	s0 =	simm.s32 @!p5 $0x8  }
0xf5: {  	_ =	swait.ge @!p5 [sflag:s0], $0x4000  }
0xf6: {  	[sflag:s0] =	ssyncset.done @!p5 $0x0  }
0xf7: {  	s10 =	simm.s32 @!p5 $0xD;
	[sflag:s0] =	ssyncadd.s32 @!p5 $0xFFFFC000  }
0xf8: {  	_ =	swait.ge @!p5 [sflag:s10], $0x80  }
0xf9: {  	[sflag:s10] =	ssyncset.done @!p5 $0x0  }
0xfa: {  	s0 =	simm.s32 @!p5 $0x8280;
	[sflag:s10] =	ssyncadd.s32 @!p5 $0xFFFFFF80;
	s10 =	simm.s32 @!p5 $0x80  }
0xfb: {  	[tilespmem:s0], [sflag:$0x3] =	stream.indirect.gather @!p5 [hbm4b:s1+s10], $0x80, s16, s10, $0xb8;
	[tilespmem:$0x14280] =	vst v63  }
0xfc: {  	s0 =	simm.s32 @!p6 $0x0;
	s10 =	simm.s32 @!p6 $0x180  }
0xfd: {  	[tilespmem:s10], [sflag:$0xE] =	stream.linear.gather @!p6 [hbm4b:s12+s0], $0x80, $0x38;
	[tilespmem:$0x14280] =	vst v63  }
0xfe: {  	_ =	swait.ge @!p0 [sflag:s11], $0x4000  }
0xff: {  	[sflag:s11] =	ssyncset.done @!p0 $0x0  }
0x100: {  	s0 =	simm.s32 @!p0 $0x0;
	[sflag:s11] =	ssyncadd.s32 @!p0 $0xFFFFC000  }
0x101: {  	[hbm4b:s26+s0] =	stream.linear.scatter @!p0 [tilespmem:s8], [sflag:$0xA], $0x4000, $0x38;
	[tilespmem:$0x14280] =	vst v63  }
0x102: {  	s0 =	simm.s32 @!p4 $0x2  }
0x103: {  	_ =	swait.ge @!p4 [sflag:s0], $0x4000  }
0x104: {  	[sflag:s0] =	ssyncset.done @!p4 $0x0  }
0x105: {  	[sflag:s0] =	ssyncadd.s32 @!p4 $0xFFFFC000;
	s0 =	simm.s32 @!p6 $0x9  }
0x106: {  	[tilespmem:s5], [sflag:$0x2] =	stream.indirect.gather.add.f32 @!p4 [hbm:s2], $0x80, s9, s9, $0xb8;
	[tilespmem:$0x14280] =	vst v63  }
0x107: {  	_ =	swait.ge @!p6 [sflag:s0], $0x4000  }
0x108: {  	[sflag:s0] =	ssyncset.done @!p6 $0x0  }
0x109: {  	s5 =	simm.s32 @!p6 $0xE;
	[sflag:s0] =	ssyncadd.s32 @!p6 $0xFFFFC000  }
0x10a: {  	_ =	swait.ge @!p6 [sflag:s5], $0x80  }
0x10b: {  	s0 =	simm.s32 @!p6 $0xC280;
	[sflag:s5] =	ssyncset.done @!p6 $0x0;
	s20 =	sld [smem:$0x7FB]  }
0x10c: {  	s21 =	sld [smem:$0x7FD];
	[sflag:s5] =	ssyncadd.s32 @!p6 $0xFFFFFF80;
	s5 =	simm.s32 @!p6 $0x80  }
0x10d: {  	[tilespmem:s0], [sflag:$0x4] =	stream.indirect.gather @!p6 [hbm4b:s1+s5], $0x80, s10, s5, $0xb8;
	[tilespmem:$0x14280] =	vst v63  }
0x10e: {  	p0 =	seq.s32 s20, $0x1  }
0x10f: {  	s13 =	simm.s32 @p0 $0x18620;
	p0 =	seq.s32 s21, $0x1  }
0x110: {  	s22 =	simm.s32 $0x6;
	s1 =	rddreg [dreg:$0x2];
	s0 =	sshrl.u32 @!p0 s13, $0x3  }
0x111: {  	s5 =	simm.s32 @!p0 $0x200;
	s8 =	simm.s32 @!p0 $0x0;
	s0 =	sadd.s32 @!p0 s1, s0  }
0x112: {  	[tilespmem:s5], [sflag:$0xF] =	stream.linear.gather @!p0 [hbm4b:s0+s8], $0x80, $0x38;
	[tilespmem:$0x14280] =	vst v63  }
0x113: {  	_ =	swait.ge [sflag:s22], $0x4000  }
0x114: {  	[sflag:s22] =	ssyncset.done $0x0  }
0x115: {  	s23 =	simm.s32 $0x7;
	[sflag:s22] =	ssyncadd.s32 $0xFFFFC000  }
0x116: {  	_ =	swait.ge [sflag:s23], $0x4000  }
0x117: {  	[sflag:s23] =	ssyncset.done $0x0  }
0x118: {  	s24 =	simm.s32 $0x8;
	[sflag:s23] =	ssyncadd.s32 $0xFFFFC000  }
0x119: {  	_ =	swait.ge [sflag:s24], $0x4000  }
0x11a: {  	[sflag:s24] =	ssyncset.done $0x0  }
0x11b: {  	s26 =	simm.s32 $0x9;
	[sflag:s24] =	ssyncadd.s32 $0xFFFFC000  }
0x11c: {  	_ =	swait.ge [sflag:s26], $0x4000  }
0x11d: {  	[sflag:s26] =	ssyncset.done $0x0  }
0x11e: {  	s29 =	simm.s32 $0xA;
	[sflag:s26] =	ssyncadd.s32 $0xFFFFC000  }
0x11f: {  	_ =	swait.ge [sflag:s29], $0x4000  }
0x120: {  	s30 =	rddreg [dreg:$0xd]  }
0x121: {  	s31 =	rddreg [dreg:$0xb];
	s8 =	sadd.s32 $0x1, s30  }
0x122: {  	p0 =	sne.s32 s8, s31  }
.Ltmp1:
0x123: {  	_ = 	snop;
	(pc) =	sbr.rel @p0 .LBB2_1-.Ltmp1, $4  }
0x124: {  	_ = 	snop  }
0x125: {  	s6 =	simm.s32 $0x1;
	s3 =	simm.s32 $0x3;
	s19 =	simm.s32 $0x2  }
0x126: {  	s9 =	simm.s32 $0x280;
	s10 =	simm.s32 $0x4280;
	[sflag:s29] =	ssyncset.done $0x0  }
0x127: {  	s5 =	simm.s32 $0x180;
	s23 =	simm.s32 $0x8280;
	[sflag:s29] =	ssyncadd.s32 $0xFFFFC000  }
0x128: {  	_ =	sfence.sel $0x180000  }
0x129: {  	[bflag:$0x0] =	sbarrier.arrive $0xFFFF  }
0x12a: {  	_ =	strace $0x90000047  }
0x12b: {  	s0 =	stileid.u32;
	[bflag:$0x2] =	sbarrier.arrive $0xFFFF  }
0x12c: {  	p0 =	sne.s32 s0, $0x0;
	s0 =	rddreg [dreg:$0x4]  }
0x12d: {  	s0 =	sadd.s32 @!p0 $0x100000, s0  }
0x12e: {  	[sflag:s0] =	ssyncadd.tile.s32 @!p0 $0x1;
	_ =	shalt  }
.Lfunc_end2:
_tile_overlayer_lowered:
.L_overlay_start_2:
0x12f: {  	(tag) =	ssettag $0x2  }
0x130: {  	s0 =	rddreg [dreg:$0x0];
	s2 =	stileid.u32  }
0x131: {  	s1 =	rddreg [dreg:$0x1];
	p0 =	sne.s32 s2, $0x0  }
0x132: {  	s3 =	rddreg [dreg:$0x2];
	[bflag:$0x3] =	sbarrier.arrive $0xFFFF;
	s2 =	simm.s32 @!p0 $0x1C10  }
0x133: {  	[timem:s3], [sflag:s2] =	dma.local @!p0 [hbm:s0], s1  }
0x134: {  	s0 =	simm.s32 @!p0 $0x10  }
0x135: {  	_ =	swait.ge @!p0 [sflag:s0], s1  }
0x136: {  	s1 =	ssub.s32 @!p0 $0x0, s1;
	[sflag:s0] =	ssyncset.done @!p0 $0x0  }
0x137: {  	[sflag:s0] =	ssyncadd.s32 @!p0 s1  }
0x138: {  	[bflag:$0x3] =	sbarrier.arrive $0xFFFF  }
0x139: {  	_ =	shalt  }

</sc_bundles>
